<compile_context>
chip_gen: v7x
topology: tpu7x:2x2x1
jax: 0.10.2.dev20260603
libtpu: 0.0.44.dev20260713+nightly
codegen_flags: <defaults>
</compile_context>

<pallas_src>
import jax
import jax.numpy as jnp
from jax import lax
from jax.experimental import pallas as pl
from jax.experimental.pallas import tpu as pltpu
from jax.experimental.pallas import tpu_sc as plsc

V = 10000
E = 320000
D = 128

NC = 2
NS = 16
NW = NC * NS
BLK = 128
NB = E // BLK
NBUF = 3
WBLK = NB // NW
NTRI = WBLK // NBUF
TAIL = NB - NW * WBLK
V_TILE = 624
V_LAST = V - (NS - 1) * V_TILE


def _acc_slab(s):
    return pl.ds(s * V_TILE, V_TILE)


def _acc_tail():
    return pl.ds((NS - 1) * V_TILE + V_TILE, V_LAST - V_TILE)


def _sc_body(h_hbm, ids_hbm, part_hbm, *scratch):
    rows = scratch[0:NBUF]
    idxs = scratch[NBUF:2 * NBUF]
    gsems = scratch[2 * NBUF:3 * NBUF]
    ssems = scratch[3 * NBUF:4 * NBUF]
    acc = scratch[4 * NBUF]

    c = lax.axis_index("c")
    s = lax.axis_index("s")
    wid = c * NS + s

    z16 = jnp.zeros((16,), jnp.float32)

    def zrow(r, carry):
        for g in range(D // 16):
            rows[0][r, pl.ds(g * 16, 16)] = z16
        return carry

    lax.fori_loop(0, BLK, zrow, 0)
    for r0 in range(0, V_TILE, BLK):
        n = min(BLK, V_TILE - r0)
        pltpu.sync_copy(rows[0].at[pl.ds(0, n)],
                        acc.at[pl.ds(s * V_TILE + r0, n)])

    @pl.when(s == NS - 1)
    def _():
        pltpu.sync_copy(rows[0].at[pl.ds(0, V_LAST - V_TILE)],
                        acc.at[_acc_tail()])

    plsc.subcore_barrier()

    b0 = wid * WBLK

    def start_gather(ch, k):
        half = BLK // 2
        base = (b0 + ch) * BLK
        pltpu.async_copy(h_hbm.at[pl.ds(base, half)],
                         rows[k].at[pl.ds(0, half)], gsems[k])
        pltpu.async_copy(h_hbm.at[pl.ds(base + half, half)],
                         rows[k].at[pl.ds(half, half)], gsems[k])
        pltpu.async_copy(ids_hbm.at[pl.ds(base, BLK)], idxs[k],
                         gsems[k])

    def wait_gather(k):
        pltpu.make_async_copy(h_hbm.at[pl.ds(0, BLK)], rows[k],
                              gsems[k]).wait()
        pltpu.make_async_copy(ids_hbm.at[pl.ds(0, BLK)], idxs[k],
                              gsems[k]).wait()

    def start_scatter(k):
        pltpu.async_copy(rows[k], acc.at[idxs[k]], ssems[k], add=True)

    def wait_scatter(k):
        pltpu.make_async_copy(rows[k], acc.at[idxs[k]], ssems[k]).wait()

    for k in range(NBUF):
        start_gather(k, k)

    def triple(p, carry):
        for k in range(NBUF):
            ch = NBUF * p + k
            wait_gather(k)
            start_scatter(k)

            @pl.when(ch + NBUF < WBLK)
            def _():
                wait_scatter(k)
                start_gather(ch + NBUF, k)
        return carry

    lax.fori_loop(0, NTRI, triple, 0)
    for k in range(NBUF):
        wait_scatter(k)

    @pl.when(wid < TAIL)
    def _():
        tb = NW * WBLK + wid
        pltpu.sync_copy(h_hbm.at[pl.ds(tb * BLK, BLK)], rows[0])
        pltpu.sync_copy(ids_hbm.at[pl.ds(tb * BLK, BLK)], idxs[0])
        pltpu.sync_copy(rows[0], acc.at[idxs[0]], add=True)

    plsc.subcore_barrier()

    pltpu.sync_copy(acc.at[_acc_slab(s)], part_hbm.at[c, _acc_slab(s)])

    @pl.when(s == NS - 1)
    def _():
        pltpu.sync_copy(acc.at[_acc_tail()], part_hbm.at[c, _acc_tail()])


@jax.jit
def _segment_sum_sc(H, ids):
    mesh = plsc.VectorSubcoreMesh(core_axis_name="c", subcore_axis_name="s")
    return pl.kernel(
        _sc_body,
        out_type=jax.ShapeDtypeStruct((NC, V, D), jnp.float32),
        mesh=mesh,
        scratch_types=(
            [pltpu.VMEM((BLK, D), jnp.float32) for _ in range(NBUF)]
            + [pltpu.VMEM((BLK,), jnp.int32) for _ in range(NBUF)]
            + [pltpu.SemaphoreType.DMA for _ in range(2 * NBUF)]
            + [pltpu.VMEM_SHARED((V, D), jnp.float32)]
        ),
    )(H, ids)


def _tc_add_body(p0, p1, o):
    o[...] = p0[...] + p1[...]


@jax.jit
def _combine(part):
    blk = 1000
    grid = V // blk
    spec = pl.BlockSpec((blk, D), lambda i: (i, 0))
    return pl.pallas_call(
        _tc_add_body,
        grid=(grid,),
        in_specs=[spec, spec],
        out_specs=spec,
        out_shape=jax.ShapeDtypeStruct((V, D), jnp.float32),
    )(part[0], part[1])


def kernel(H, X_node):
    ids = X_node.astype(jnp.int32)
    part = _segment_sum_sc(H, ids)
    return _combine(part)

# --- scband reference (transcript-rebuilt; emitter-appended) ---
"""Pipeline reference for scband-aggr-sum-13288628814370 (READ-ONLY COPY).

The authoritative reference and input builder live on the scoring server;
editing this copy changes nothing except your own understanding.
"""

import jax, jax.numpy as jnp
import numpy as np

V = 10000
E = 320000
D = 128

def setup_inputs(seed: int = 0) -> dict:
    key = jax.random.key(seed)
    k1, k2 = jax.random.split(key)
    H = jax.random.normal(k1, (E, D), dtype=jnp.float32)
    X_node = jnp.sort(jax.random.randint(k2, (E,), 0, V, dtype=jnp.int64))
    return {"H": H, "X_node": X_node}

def reference(H, X_node):
    # Original torch: mask[v, e] = (X_node[e] == v); out = mask @ H.
    # Mathematically identical to a per-segment sum over rows of H with
    # num_segments = V (rows of out for unused node ids are zero, matching mm).
    out = jax.ops.segment_sum(H, X_node, num_segments=V)
    return out

if __name__ == "__main__":
    import jax
    _d = setup_inputs()
    print(jax.jit(kernel)(*tuple(_d.values())))

</pallas_src>

<mosaic_0001>
#map = affine_map<(d0, d1) -> (0, 0)>
#map1 = affine_map<(d0, d1) -> (0)>
#map2 = affine_map<(d0, d1) -> (0, 0, 0)>
module attributes {stable_mosaic.version = 14 : i64} {
  func.func @_sc_body(%arg0: i32, %arg1: i32, %arg2: memref<320000x128xf32, #tpu.memory_space<hbm>>, %arg3: memref<320000xi32, #tpu.memory_space<hbm>>, %arg4: memref<2x10000x128xf32, #tpu.memory_space<hbm>>, %arg5: memref<128x128xf32, #tpu.memory_space<vmem>>, %arg6: memref<128x128xf32, #tpu.memory_space<vmem>>, %arg7: memref<128x128xf32, #tpu.memory_space<vmem>>, %arg8: memref<128xi32, #tpu.memory_space<vmem>>, %arg9: memref<128xi32, #tpu.memory_space<vmem>>, %arg10: memref<128xi32, #tpu.memory_space<vmem>>, %arg11: memref<!tpu.dma_semaphore, #tpu.memory_space<semaphore_mem>>, %arg12: memref<!tpu.dma_semaphore, #tpu.memory_space<semaphore_mem>>, %arg13: memref<!tpu.dma_semaphore, #tpu.memory_space<semaphore_mem>>, %arg14: memref<!tpu.dma_semaphore, #tpu.memory_space<semaphore_mem>>, %arg15: memref<!tpu.dma_semaphore, #tpu.memory_space<semaphore_mem>>, %arg16: memref<!tpu.dma_semaphore, #tpu.memory_space<semaphore_mem>>, %arg17: memref<10000x128xf32, #tpu.memory_space<vmem_shared>>) attributes {dimension_semantics = [#tpu.dimension_semantics<core_parallel>, #tpu.dimension_semantics<subcore_parallel>], iteration_bounds = array<i64: 2, 16>, scalar_prefetch = 0 : i64, scratch_operands = 13 : i64, tpu.core_type = #tpu.core_type<sc_vector_subcore>, window_params = [{transform_indices = #map}, {transform_indices = #map1}, {transform_indices = #map2}]} {
    %mul3A = arith.constant 16 : i32
    %mul3A_0 = arith.muli %arg0, %mul3A : i32
    %add3A = arith.addi %mul3A_0, %arg1 : i32
    %broadcast_in_dim3A = arith.constant 0.000000e+00 : f32
    %broadcast_in_dim3A_1 = vector.broadcast %broadcast_in_dim3A : f32 to vector<16xf32>
    %scan3A = arith.constant 0 : i32
    %scan3A_2 = arith.constant 0 : i32
    %scan3A_3 = arith.constant 128 : i32
    %scan3A_4 = arith.addi %scan3A_2, %scan3A_3 : i32
    %scan3A_5 = arith.constant 1 : i32
    scf.for %scan3A_142 = %scan3A_2 to %scan3A_4 step %scan3A_5  : i32 {
      %swap3A = arith.index_cast %scan3A_142 : i32 to index
      %swap3A_143 = arith.constant 0 : index
      %swap3A_144 = tpu.vector_load %arg5[%swap3A, %swap3A_143] {strides = array<i32>} : memref<128x128xf32, #tpu.memory_space<vmem>>, vector<1x16xf32>,
      %swap3A_145 = vector.shape_cast %swap3A_144 : vector<1x16xf32> to vector<16xf32>
      %swap3A_146 = vector.shape_cast %broadcast_in_dim3A_1 : vector<16xf32> to vector<1x16xf32>
      tpu.vector_store %arg5[%swap3A, %swap3A_143], %swap3A_146 {strides = array<i32>} : memref<128x128xf32, #tpu.memory_space<vmem>>, vector<1x16xf32>,
      %swap3A_147 = arith.index_cast %scan3A_142 : i32 to index
      %swap3A_148 = arith.constant 16 : index
      %swap3A_149 = tpu.vector_load %arg5[%swap3A_147, %swap3A_148] {strides = array<i32>} : memref<128x128xf32, #tpu.memory_space<vmem>>, vector<1x16xf32>,
      %swap3A_150 = vector.shape_cast %swap3A_149 : vector<1x16xf32> to vector<16xf32>
      %swap3A_151 = vector.shape_cast %broadcast_in_dim3A_1 : vector<16xf32> to vector<1x16xf32>
      tpu.vector_store %arg5[%swap3A_147, %swap3A_148], %swap3A_151 {strides = array<i32>} : memref<128x128xf32, #tpu.memory_space<vmem>>, vector<1x16xf32>,
      %swap3A_152 = arith.index_cast %scan3A_142 : i32 to index
      %swap3A_153 = arith.constant 32 : index
      %swap3A_154 = tpu.vector_load %arg5[%swap3A_152, %swap3A_153] {strides = array<i32>} : memref<128x128xf32, #tpu.memory_space<vmem>>, vector<1x16xf32>,
      %swap3A_155 = vector.shape_cast %swap3A_154 : vector<1x16xf32> to vector<16xf32>
      %swap3A_156 = vector.shape_cast %broadcast_in_dim3A_1 : vector<16xf32> to vector<1x16xf32>
      tpu.vector_store %arg5[%swap3A_152, %swap3A_153], %swap3A_156 {strides = array<i32>} : memref<128x128xf32, #tpu.memory_space<vmem>>, vector<1x16xf32>,
      %swap3A_157 = arith.index_cast %scan3A_142 : i32 to index
      %swap3A_158 = arith.constant 48 : index
      %swap3A_159 = tpu.vector_load %arg5[%swap3A_157, %swap3A_158] {strides = array<i32>} : memref<128x128xf32, #tpu.memory_space<vmem>>, vector<1x16xf32>,
      %swap3A_160 = vector.shape_cast %swap3A_159 : vector<1x16xf32> to vector<16xf32>
      %swap3A_161 = vector.shape_cast %broadcast_in_dim3A_1 : vector<16xf32> to vector<1x16xf32>
      tpu.vector_store %arg5[%swap3A_157, %swap3A_158], %swap3A_161 {strides = array<i32>} : memref<128x128xf32, #tpu.memory_space<vmem>>, vector<1x16xf32>,
      %swap3A_162 = arith.index_cast %scan3A_142 : i32 to index
      %swap3A_163 = arith.constant 64 : index
      %swap3A_164 = tpu.vector_load %arg5[%swap3A_162, %swap3A_163] {strides = array<i32>} : memref<128x128xf32, #tpu.memory_space<vmem>>, vector<1x16xf32>,
      %swap3A_165 = vector.shape_cast %swap3A_164 : vector<1x16xf32> to vector<16xf32>
      %swap3A_166 = vector.shape_cast %broadcast_in_dim3A_1 : vector<16xf32> to vector<1x16xf32>
      tpu.vector_store %arg5[%swap3A_162, %swap3A_163], %swap3A_166 {strides = array<i32>} : memref<128x128xf32, #tpu.memory_space<vmem>>, vector<1x16xf32>,
      %swap3A_167 = arith.index_cast %scan3A_142 : i32 to index
      %swap3A_168 = arith.constant 80 : index
      %swap3A_169 = tpu.vector_load %arg5[%swap3A_167, %swap3A_168] {strides = array<i32>} : memref<128x128xf32, #tpu.memory_space<vmem>>, vector<1x16xf32>,
      %swap3A_170 = vector.shape_cast %swap3A_169 : vector<1x16xf32> to vector<16xf32>
      %swap3A_171 = vector.shape_cast %broadcast_in_dim3A_1 : vector<16xf32> to vector<1x16xf32>
      tpu.vector_store %arg5[%swap3A_167, %swap3A_168], %swap3A_171 {strides = array<i32>} : memref<128x128xf32, #tpu.memory_space<vmem>>, vector<1x16xf32>,
      %swap3A_172 = arith.index_cast %scan3A_142 : i32 to index
      %swap3A_173 = arith.constant 96 : index
      %swap3A_174 = tpu.vector_load %arg5[%swap3A_172, %swap3A_173] {strides = array<i32>} : memref<128x128xf32, #tpu.memory_space<vmem>>, vector<1x16xf32>,
      %swap3A_175 = vector.shape_cast %swap3A_174 : vector<1x16xf32> to vector<16xf32>
      %swap3A_176 = vector.shape_cast %broadcast_in_dim3A_1 : vector<16xf32> to vector<1x16xf32>
      tpu.vector_store %arg5[%swap3A_172, %swap3A_173], %swap3A_176 {strides = array<i32>} : memref<128x128xf32, #tpu.memory_space<vmem>>, vector<1x16xf32>,
      %swap3A_177 = arith.index_cast %scan3A_142 : i32 to index
      %swap3A_178 = arith.constant 112 : index
      %swap3A_179 = tpu.vector_load %arg5[%swap3A_177, %swap3A_178] {strides = array<i32>} : memref<128x128xf32, #tpu.memory_space<vmem>>, vector<1x16xf32>,
      %swap3A_180 = vector.shape_cast %swap3A_179 : vector<1x16xf32> to vector<16xf32>
      %swap3A_181 = vector.shape_cast %broadcast_in_dim3A_1 : vector<16xf32> to vector<1x16xf32>
      tpu.vector_store %arg5[%swap3A_177, %swap3A_178], %swap3A_181 {strides = array<i32>} : memref<128x128xf32, #tpu.memory_space<vmem>>, vector<1x16xf32>,
    }
    %scan3A_6 = arith.constant 128 : i32
    %mul3A_7 = arith.constant 624 : i32
    %mul3A_8 = arith.muli %arg1, %mul3A_7 : i32
    %add3A_9 = arith.constant 0 : i32
    %add3A_10 = arith.addi %mul3A_8, %add3A_9 : i32
    "tpu.region"() ({
      %run_scoped3A = tpu.sem_alloc : memref<!tpu.dma_semaphore, #tpu.memory_space<semaphore_mem>>
      %dma_start3A_142 = arith.constant 0 : i32
      %dma_start3A_143 = arith.constant 0 : i32
      %dma_start3A_144 = tpu.memref_slice %arg5[%dma_start3A_142, %dma_start3A_143] : memref<128x128xf32, #tpu.memory_space<vmem>> -> memref<128x128xf32, #tpu.memory_space<vmem>>
      %dma_start3A_145 = arith.constant 0 : i32
      %dma_start3A_146 = tpu.memref_slice %arg17[%add3A_10, %dma_start3A_145] : memref<10000x128xf32, #tpu.memory_space<vmem_shared>> -> memref<128x128xf32, #tpu.memory_space<vmem_shared>>
      %dma_start3A_147 = arith.constant 0 : i32
      %dma_start3A_148 = tpu.memref_slice %arg17[%add3A_10, %dma_start3A_147] : memref<10000x128xf32, #tpu.memory_space<vmem_shared>> -> memref<128x128xf32, #tpu.memory_space<vmem_shared>>
      %dma_start3A_149 = arith.constant 0 : i32
      %dma_start3A_150 = arith.constant 0 : i32
      %dma_start3A_151 = tpu.memref_slice %arg5[%dma_start3A_149, %dma_start3A_150] : memref<128x128xf32, #tpu.memory_space<vmem>> -> memref<128x128xf32, #tpu.memory_space<vmem>>
      tpu.enqueue_dma source(%dma_start3A_151 : memref<128x128xf32, #tpu.memory_space<vmem>>) target(%dma_start3A_148 : memref<128x128xf32, #tpu.memory_space<vmem_shared>>) target_semaphore(%run_scoped3A : memref<!tpu.dma_semaphore, #tpu.memory_space<semaphore_mem>>)
      %dma_wait3A_152 = arith.constant 0 : i32
      %dma_wait3A_153 = arith.constant 0 : i32
      %dma_wait3A_154 = tpu.memref_slice %arg5[%dma_wait3A_152, %dma_wait3A_153] : memref<128x128xf32, #tpu.memory_space<vmem>> -> memref<128x128xf32, #tpu.memory_space<vmem>>
      %dma_wait3A_155 = arith.constant 0 : i32
      %dma_wait3A_156 = tpu.memref_slice %arg17[%add3A_10, %dma_wait3A_155] : memref<10000x128xf32, #tpu.memory_space<vmem_shared>> -> memref<128x128xf32, #tpu.memory_space<vmem_shared>>
      %dma_wait3A_157 = arith.constant 0 : i32
      %dma_wait3A_158 = tpu.memref_slice %arg17[%add3A_10, %dma_wait3A_157] : memref<10000x128xf32, #tpu.memory_space<vmem_shared>> -> memref<128x128xf32, #tpu.memory_space<vmem_shared>>
      %dma_wait3A_159 = arith.constant 0 : i32
      %dma_wait3A_160 = arith.constant 0 : i32
      %dma_wait3A_161 = tpu.memref_slice %arg5[%dma_wait3A_159, %dma_wait3A_160] : memref<128x128xf32, #tpu.memory_space<vmem>> -> memref<128x128xf32, #tpu.memory_space<vmem>>
      tpu.wait_dma2 semaphore(%run_scoped3A : memref<!tpu.dma_semaphore, #tpu.memory_space<semaphore_mem>>) src(%dma_wait3A_161 : memref<128x128xf32, #tpu.memory_space<vmem>>) dst(%dma_wait3A_158 : memref<128x128xf32, #tpu.memory_space<vmem_shared>>)
      tpu.yield
    }) : () -> ()
    %mul3A_11 = arith.constant 624 : i32
    %mul3A_12 = arith.muli %arg1, %mul3A_11 : i32
    %add3A_13 = arith.constant 128 : i32
    %add3A_14 = arith.addi %mul3A_12, %add3A_13 : i32
    "tpu.region"() ({
      %run_scoped3A = tpu.sem_alloc : memref<!tpu.dma_semaphore, #tpu.memory_space<semaphore_mem>>
      %dma_start3A_142 = arith.constant 0 : i32
      %dma_start3A_143 = arith.constant 0 : i32
      %dma_start3A_144 = tpu.memref_slice %arg5[%dma_start3A_142, %dma_start3A_143] : memref<128x128xf32, #tpu.memory_space<vmem>> -> memref<128x128xf32, #tpu.memory_space<vmem>>
      %dma_start3A_145 = arith.constant 0 : i32
      %dma_start3A_146 = tpu.memref_slice %arg17[%add3A_14, %dma_start3A_145] : memref<10000x128xf32, #tpu.memory_space<vmem_shared>> -> memref<128x128xf32, #tpu.memory_space<vmem_shared>>
      %dma_start3A_147 = arith.constant 0 : i32
      %dma_start3A_148 = tpu.memref_slice %arg17[%add3A_14, %dma_start3A_147] : memref<10000x128xf32, #tpu.memory_space<vmem_shared>> -> memref<128x128xf32, #tpu.memory_space<vmem_shared>>
      %dma_start3A_149 = arith.constant 0 : i32
      %dma_start3A_150 = arith.constant 0 : i32
      %dma_start3A_151 = tpu.memref_slice %arg5[%dma_start3A_149, %dma_start3A_150] : memref<128x128xf32, #tpu.memory_space<vmem>> -> memref<128x128xf32, #tpu.memory_space<vmem>>
      tpu.enqueue_dma source(%dma_start3A_151 : memref<128x128xf32, #tpu.memory_space<vmem>>) target(%dma_start3A_148 : memref<128x128xf32, #tpu.memory_space<vmem_shared>>) target_semaphore(%run_scoped3A : memref<!tpu.dma_semaphore, #tpu.memory_space<semaphore_mem>>)
      %dma_wait3A_152 = arith.constant 0 : i32
      %dma_wait3A_153 = arith.constant 0 : i32
      %dma_wait3A_154 = tpu.memref_slice %arg5[%dma_wait3A_152, %dma_wait3A_153] : memref<128x128xf32, #tpu.memory_space<vmem>> -> memref<128x128xf32, #tpu.memory_space<vmem>>
      %dma_wait3A_155 = arith.constant 0 : i32
      %dma_wait3A_156 = tpu.memref_slice %arg17[%add3A_14, %dma_wait3A_155] : memref<10000x128xf32, #tpu.memory_space<vmem_shared>> -> memref<128x128xf32, #tpu.memory_space<vmem_shared>>
      %dma_wait3A_157 = arith.constant 0 : i32
      %dma_wait3A_158 = tpu.memref_slice %arg17[%add3A_14, %dma_wait3A_157] : memref<10000x128xf32, #tpu.memory_space<vmem_shared>> -> memref<128x128xf32, #tpu.memory_space<vmem_shared>>
      %dma_wait3A_159 = arith.constant 0 : i32
      %dma_wait3A_160 = arith.constant 0 : i32
      %dma_wait3A_161 = tpu.memref_slice %arg5[%dma_wait3A_159, %dma_wait3A_160] : memref<128x128xf32, #tpu.memory_space<vmem>> -> memref<128x128xf32, #tpu.memory_space<vmem>>
      tpu.wait_dma2 semaphore(%run_scoped3A : memref<!tpu.dma_semaphore, #tpu.memory_space<semaphore_mem>>) src(%dma_wait3A_161 : memref<128x128xf32, #tpu.memory_space<vmem>>) dst(%dma_wait3A_158 : memref<128x128xf32, #tpu.memory_space<vmem_shared>>)
      tpu.yield
    }) : () -> ()
    %mul3A_15 = arith.constant 624 : i32
    %mul3A_16 = arith.muli %arg1, %mul3A_15 : i32
    %add3A_17 = arith.constant 256 : i32
    %add3A_18 = arith.addi %mul3A_16, %add3A_17 : i32
    "tpu.region"() ({
      %run_scoped3A = tpu.sem_alloc : memref<!tpu.dma_semaphore, #tpu.memory_space<semaphore_mem>>
      %dma_start3A_142 = arith.constant 0 : i32
      %dma_start3A_143 = arith.constant 0 : i32
      %dma_start3A_144 = tpu.memref_slice %arg5[%dma_start3A_142, %dma_start3A_143] : memref<128x128xf32, #tpu.memory_space<vmem>> -> memref<128x128xf32, #tpu.memory_space<vmem>>
      %dma_start3A_145 = arith.constant 0 : i32
      %dma_start3A_146 = tpu.memref_slice %arg17[%add3A_18, %dma_start3A_145] : memref<10000x128xf32, #tpu.memory_space<vmem_shared>> -> memref<128x128xf32, #tpu.memory_space<vmem_shared>>
      %dma_start3A_147 = arith.constant 0 : i32
      %dma_start3A_148 = tpu.memref_slice %arg17[%add3A_18, %dma_start3A_147] : memref<10000x128xf32, #tpu.memory_space<vmem_shared>> -> memref<128x128xf32, #tpu.memory_space<vmem_shared>>
      %dma_start3A_149 = arith.constant 0 : i32
      %dma_start3A_150 = arith.constant 0 : i32
      %dma_start3A_151 = tpu.memref_slice %arg5[%dma_start3A_149, %dma_start3A_150] : memref<128x128xf32, #tpu.memory_space<vmem>> -> memref<128x128xf32, #tpu.memory_space<vmem>>
      tpu.enqueue_dma source(%dma_start3A_151 : memref<128x128xf32, #tpu.memory_space<vmem>>) target(%dma_start3A_148 : memref<128x128xf32, #tpu.memory_space<vmem_shared>>) target_semaphore(%run_scoped3A : memref<!tpu.dma_semaphore, #tpu.memory_space<semaphore_mem>>)
      %dma_wait3A_152 = arith.constant 0 : i32
      %dma_wait3A_153 = arith.constant 0 : i32
      %dma_wait3A_154 = tpu.memref_slice %arg5[%dma_wait3A_152, %dma_wait3A_153] : memref<128x128xf32, #tpu.memory_space<vmem>> -> memref<128x128xf32, #tpu.memory_space<vmem>>
      %dma_wait3A_155 = arith.constant 0 : i32
      %dma_wait3A_156 = tpu.memref_slice %arg17[%add3A_18, %dma_wait3A_155] : memref<10000x128xf32, #tpu.memory_space<vmem_shared>> -> memref<128x128xf32, #tpu.memory_space<vmem_shared>>
      %dma_wait3A_157 = arith.constant 0 : i32
      %dma_wait3A_158 = tpu.memref_slice %arg17[%add3A_18, %dma_wait3A_157] : memref<10000x128xf32, #tpu.memory_space<vmem_shared>> -> memref<128x128xf32, #tpu.memory_space<vmem_shared>>
      %dma_wait3A_159 = arith.constant 0 : i32
      %dma_wait3A_160 = arith.constant 0 : i32
      %dma_wait3A_161 = tpu.memref_slice %arg5[%dma_wait3A_159, %dma_wait3A_160] : memref<128x128xf32, #tpu.memory_space<vmem>> -> memref<128x128xf32, #tpu.memory_space<vmem>>
      tpu.wait_dma2 semaphore(%run_scoped3A : memref<!tpu.dma_semaphore, #tpu.memory_space<semaphore_mem>>) src(%dma_wait3A_161 : memref<128x128xf32, #tpu.memory_space<vmem>>) dst(%dma_wait3A_158 : memref<128x128xf32, #tpu.memory_space<vmem_shared>>)
      tpu.yield
    }) : () -> ()
    %mul3A_19 = arith.constant 624 : i32
    %mul3A_20 = arith.muli %arg1, %mul3A_19 : i32
    %add3A_21 = arith.constant 384 : i32
    %add3A_22 = arith.addi %mul3A_20, %add3A_21 : i32
    "tpu.region"() ({
      %run_scoped3A = tpu.sem_alloc : memref<!tpu.dma_semaphore, #tpu.memory_space<semaphore_mem>>
      %dma_start3A_142 = arith.constant 0 : i32
      %dma_start3A_143 = arith.constant 0 : i32
      %dma_start3A_144 = tpu.memref_slice %arg5[%dma_start3A_142, %dma_start3A_143] : memref<128x128xf32, #tpu.memory_space<vmem>> -> memref<128x128xf32, #tpu.memory_space<vmem>>
      %dma_start3A_145 = arith.constant 0 : i32
      %dma_start3A_146 = tpu.memref_slice %arg17[%add3A_22, %dma_start3A_145] : memref<10000x128xf32, #tpu.memory_space<vmem_shared>> -> memref<128x128xf32, #tpu.memory_space<vmem_shared>>
      %dma_start3A_147 = arith.constant 0 : i32
      %dma_start3A_148 = tpu.memref_slice %arg17[%add3A_22, %dma_start3A_147] : memref<10000x128xf32, #tpu.memory_space<vmem_shared>> -> memref<128x128xf32, #tpu.memory_space<vmem_shared>>
      %dma_start3A_149 = arith.constant 0 : i32
      %dma_start3A_150 = arith.constant 0 : i32
      %dma_start3A_151 = tpu.memref_slice %arg5[%dma_start3A_149, %dma_start3A_150] : memref<128x128xf32, #tpu.memory_space<vmem>> -> memref<128x128xf32, #tpu.memory_space<vmem>>
      tpu.enqueue_dma source(%dma_start3A_151 : memref<128x128xf32, #tpu.memory_space<vmem>>) target(%dma_start3A_148 : memref<128x128xf32, #tpu.memory_space<vmem_shared>>) target_semaphore(%run_scoped3A : memref<!tpu.dma_semaphore, #tpu.memory_space<semaphore_mem>>)
      %dma_wait3A_152 = arith.constant 0 : i32
      %dma_wait3A_153 = arith.constant 0 : i32
      %dma_wait3A_154 = tpu.memref_slice %arg5[%dma_wait3A_152, %dma_wait3A_153] : memref<128x128xf32, #tpu.memory_space<vmem>> -> memref<128x128xf32, #tpu.memory_space<vmem>>
      %dma_wait3A_155 = arith.constant 0 : i32
      %dma_wait3A_156 = tpu.memref_slice %arg17[%add3A_22, %dma_wait3A_155] : memref<10000x128xf32, #tpu.memory_space<vmem_shared>> -> memref<128x128xf32, #tpu.memory_space<vmem_shared>>
      %dma_wait3A_157 = arith.constant 0 : i32
      %dma_wait3A_158 = tpu.memref_slice %arg17[%add3A_22, %dma_wait3A_157] : memref<10000x128xf32, #tpu.memory_space<vmem_shared>> -> memref<128x128xf32, #tpu.memory_space<vmem_shared>>
      %dma_wait3A_159 = arith.constant 0 : i32
      %dma_wait3A_160 = arith.constant 0 : i32
      %dma_wait3A_161 = tpu.memref_slice %arg5[%dma_wait3A_159, %dma_wait3A_160] : memref<128x128xf32, #tpu.memory_space<vmem>> -> memref<128x128xf32, #tpu.memory_space<vmem>>
      tpu.wait_dma2 semaphore(%run_scoped3A : memref<!tpu.dma_semaphore, #tpu.memory_space<semaphore_mem>>) src(%dma_wait3A_161 : memref<128x128xf32, #tpu.memory_space<vmem>>) dst(%dma_wait3A_158 : memref<128x128xf32, #tpu.memory_space<vmem_shared>>)
      tpu.yield
    }) : () -> ()
    %mul3A_23 = arith.constant 624 : i32
    %mul3A_24 = arith.muli %arg1, %mul3A_23 : i32
    %add3A_25 = arith.constant 512 : i32
    %add3A_26 = arith.addi %mul3A_24, %add3A_25 : i32
    "tpu.region"() ({
      %run_scoped3A = tpu.sem_alloc : memref<!tpu.dma_semaphore, #tpu.memory_space<semaphore_mem>>
      %dma_start3A_142 = arith.constant 0 : i32
      %dma_start3A_143 = arith.constant 0 : i32
      %dma_start3A_144 = tpu.memref_slice %arg5[%dma_start3A_142, %dma_start3A_143] : memref<128x128xf32, #tpu.memory_space<vmem>> -> memref<112x128xf32, #tpu.memory_space<vmem>>
      %dma_start3A_145 = arith.constant 0 : i32
      %dma_start3A_146 = tpu.memref_slice %arg17[%add3A_26, %dma_start3A_145] : memref<10000x128xf32, #tpu.memory_space<vmem_shared>> -> memref<112x128xf32, #tpu.memory_space<vmem_shared>>
      %dma_start3A_147 = arith.constant 0 : i32
      %dma_start3A_148 = tpu.memref_slice %arg17[%add3A_26, %dma_start3A_147] : memref<10000x128xf32, #tpu.memory_space<vmem_shared>> -> memref<112x128xf32, #tpu.memory_space<vmem_shared>>
      %dma_start3A_149 = arith.constant 0 : i32
      %dma_start3A_150 = arith.constant 0 : i32
      %dma_start3A_151 = tpu.memref_slice %arg5[%dma_start3A_149, %dma_start3A_150] : memref<128x128xf32, #tpu.memory_space<vmem>> -> memref<112x128xf32, #tpu.memory_space<vmem>>
      tpu.enqueue_dma source(%dma_start3A_151 : memref<112x128xf32, #tpu.memory_space<vmem>>) target(%dma_start3A_148 : memref<112x128xf32, #tpu.memory_space<vmem_shared>>) target_semaphore(%run_scoped3A : memref<!tpu.dma_semaphore, #tpu.memory_space<semaphore_mem>>)
      %dma_wait3A_152 = arith.constant 0 : i32
      %dma_wait3A_153 = arith.constant 0 : i32
      %dma_wait3A_154 = tpu.memref_slice %arg5[%dma_wait3A_152, %dma_wait3A_153] : memref<128x128xf32, #tpu.memory_space<vmem>> -> memref<112x128xf32, #tpu.memory_space<vmem>>
      %dma_wait3A_155 = arith.constant 0 : i32
      %dma_wait3A_156 = tpu.memref_slice %arg17[%add3A_26, %dma_wait3A_155] : memref<10000x128xf32, #tpu.memory_space<vmem_shared>> -> memref<112x128xf32, #tpu.memory_space<vmem_shared>>
      %dma_wait3A_157 = arith.constant 0 : i32
      %dma_wait3A_158 = tpu.memref_slice %arg17[%add3A_26, %dma_wait3A_157] : memref<10000x128xf32, #tpu.memory_space<vmem_shared>> -> memref<112x128xf32, #tpu.memory_space<vmem_shared>>
      %dma_wait3A_159 = arith.constant 0 : i32
      %dma_wait3A_160 = arith.constant 0 : i32
      %dma_wait3A_161 = tpu.memref_slice %arg5[%dma_wait3A_159, %dma_wait3A_160] : memref<128x128xf32, #tpu.memory_space<vmem>> -> memref<112x128xf32, #tpu.memory_space<vmem>>
      tpu.wait_dma2 semaphore(%run_scoped3A : memref<!tpu.dma_semaphore, #tpu.memory_space<semaphore_mem>>) src(%dma_wait3A_161 : memref<112x128xf32, #tpu.memory_space<vmem>>) dst(%dma_wait3A_158 : memref<112x128xf32, #tpu.memory_space<vmem_shared>>)
      tpu.yield
    }) : () -> ()
    %eq3A = arith.constant 15 : i32
    %eq3A_27 = arith.cmpi eq, %arg1, %eq3A : i32
    %convert_element_type3A = arith.extui %eq3A_27 : i1 to i32
    %cond3A = arith.constant 0 : i32
    %cond3A_28 = arith.cmpi ne, %convert_element_type3A, %cond3A : i32
    scf.if %cond3A_28 {
      "tpu.region"() ({
        %run_scoped3A = tpu.sem_alloc : memref<!tpu.dma_semaphore, #tpu.memory_space<semaphore_mem>>
        %dma_start3A_142 = arith.constant 0 : i32
        %dma_start3A_143 = arith.constant 0 : i32
        %dma_start3A_144 = tpu.memref_slice %arg5[%dma_start3A_142, %dma_start3A_143] : memref<128x128xf32, #tpu.memory_space<vmem>> -> memref<16x128xf32, #tpu.memory_space<vmem>>
        %dma_start3A_145 = arith.constant 9984 : i32
        %dma_start3A_146 = arith.constant 0 : i32
        %dma_start3A_147 = tpu.memref_slice %arg17[%dma_start3A_145, %dma_start3A_146] : memref<10000x128xf32, #tpu.memory_space<vmem_shared>> -> memref<16x128xf32, #tpu.memory_space<vmem_shared>>
        %dma_start3A_148 = arith.constant 9984 : i32
        %dma_start3A_149 = arith.constant 0 : i32
        %dma_start3A_150 = tpu.memref_slice %arg17[%dma_start3A_148, %dma_start3A_149] : memref<10000x128xf32, #tpu.memory_space<vmem_shared>> -> memref<16x128xf32, #tpu.memory_space<vmem_shared>>
        %dma_start3A_151 = arith.constant 0 : i32
        %dma_start3A_152 = arith.constant 0 : i32
        %dma_start3A_153 = tpu.memref_slice %arg5[%dma_start3A_151, %dma_start3A_152] : memref<128x128xf32, #tpu.memory_space<vmem>> -> memref<16x128xf32, #tpu.memory_space<vmem>>
        tpu.enqueue_dma source(%dma_start3A_153 : memref<16x128xf32, #tpu.memory_space<vmem>>) target(%dma_start3A_150 : memref<16x128xf32, #tpu.memory_space<vmem_shared>>) target_semaphore(%run_scoped3A : memref<!tpu.dma_semaphore, #tpu.memory_space<semaphore_mem>>)
        %dma_wait3A_154 = arith.constant 0 : i32
        %dma_wait3A_155 = arith.constant 0 : i32
        %dma_wait3A_156 = tpu.memref_slice %arg5[%dma_wait3A_154, %dma_wait3A_155] : memref<128x128xf32, #tpu.memory_space<vmem>> -> memref<16x128xf32, #tpu.memory_space<vmem>>
        %dma_wait3A_157 = arith.constant 9984 : i32
        %dma_wait3A_158 = arith.constant 0 : i32
        %dma_wait3A_159 = tpu.memref_slice %arg17[%dma_wait3A_157, %dma_wait3A_158] : memref<10000x128xf32, #tpu.memory_space<vmem_shared>> -> memref<16x128xf32, #tpu.memory_space<vmem_shared>>
        %dma_wait3A_160 = arith.constant 9984 : i32
        %dma_wait3A_161 = arith.constant 0 : i32
        %dma_wait3A_162 = tpu.memref_slice %arg17[%dma_wait3A_160, %dma_wait3A_161] : memref<10000x128xf32, #tpu.memory_space<vmem_shared>> -> memref<16x128xf32, #tpu.memory_space<vmem_shared>>
        %dma_wait3A_163 = arith.constant 0 : i32
        %dma_wait3A_164 = arith.constant 0 : i32
        %dma_wait3A_165 = tpu.memref_slice %arg5[%dma_wait3A_163, %dma_wait3A_164] : memref<128x128xf32, #tpu.memory_space<vmem>> -> memref<16x128xf32, #tpu.memory_space<vmem>>
        tpu.wait_dma2 semaphore(%run_scoped3A : memref<!tpu.dma_semaphore, #tpu.memory_space<semaphore_mem>>) src(%dma_wait3A_165 : memref<16x128xf32, #tpu.memory_space<vmem>>) dst(%dma_wait3A_162 : memref<16x128xf32, #tpu.memory_space<vmem_shared>>)
        tpu.yield
      }) : () -> ()
    } else {
    }
    %barrier3A = arith.constant 0 : index
    tpu.barrier barrier_id(%barrier3A)
    %mul3A_29 = arith.constant 78 : i32
    %mul3A_30 = arith.muli %add3A, %mul3A_29 : i32
    %add3A_31 = arith.constant 0 : i32
    %add3A_32 = arith.addi %mul3A_30, %add3A_31 : i32
    %mul3A_33 = arith.constant 128 : i32
    %mul3A_34 = arith.muli %add3A_32, %mul3A_33 : i32
    %dma_start3A = arith.constant 0 : i32
    %dma_start3A_35 = arith.constant 0 : i32
    %dma_start3A_36 = tpu.memref_slice %arg5[%dma_start3A, %dma_start3A_35] : memref<128x128xf32, #tpu.memory_space<vmem>> -> memref<64x128xf32, #tpu.memory_space<vmem>>
    %dma_start3A_37 = arith.constant 0 : i32
    %dma_start3A_38 = tpu.memref_slice %arg2[%mul3A_34, %dma_start3A_37] : memref<320000x128xf32, #tpu.memory_space<hbm>> -> memref<64x128xf32, #tpu.memory_space<hbm>>
    %dma_start3A_39 = arith.constant 0 : i32
    %dma_start3A_40 = arith.constant 0 : i32
    %dma_start3A_41 = tpu.memref_slice %arg5[%dma_start3A_39, %dma_start3A_40] : memref<128x128xf32, #tpu.memory_space<vmem>> -> memref<64x128xf32, #tpu.memory_space<vmem>>
    %dma_start3A_42 = arith.constant 0 : i32
    %dma_start3A_43 = tpu.memref_slice %arg2[%mul3A_34, %dma_start3A_42] : memref<320000x128xf32, #tpu.memory_space<hbm>> -> memref<64x128xf32, #tpu.memory_space<hbm>>
    tpu.enqueue_dma source(%dma_start3A_43 : memref<64x128xf32, #tpu.memory_space<hbm>>) target(%dma_start3A_41 : memref<64x128xf32, #tpu.memory_space<vmem>>) target_semaphore(%arg11 : memref<!tpu.dma_semaphore, #tpu.memory_space<semaphore_mem>>)
    %add3A_44 = arith.constant 64 : i32
    %add3A_45 = arith.addi %mul3A_34, %add3A_44 : i32
    %dma_start3A_46 = arith.constant 64 : i32
    %dma_start3A_47 = arith.constant 0 : i32
    %dma_start3A_48 = tpu.memref_slice %arg5[%dma_start3A_46, %dma_start3A_47] : memref<128x128xf32, #tpu.memory_space<vmem>> -> memref<64x128xf32, #tpu.memory_space<vmem>>
    %dma_start3A_49 = arith.constant 0 : i32
    %dma_start3A_50 = tpu.memref_slice %arg2[%add3A_45, %dma_start3A_49] : memref<320000x128xf32, #tpu.memory_space<hbm>> -> memref<64x128xf32, #tpu.memory_space<hbm>>
    %dma_start3A_51 = arith.constant 64 : i32
    %dma_start3A_52 = arith.constant 0 : i32
    %dma_start3A_53 = tpu.memref_slice %arg5[%dma_start3A_51, %dma_start3A_52] : memref<128x128xf32, #tpu.memory_space<vmem>> -> memref<64x128xf32, #tpu.memory_space<vmem>>
    %dma_start3A_54 = arith.constant 0 : i32
    %dma_start3A_55 = tpu.memref_slice %arg2[%add3A_45, %dma_start3A_54] : memref<320000x128xf32, #tpu.memory_space<hbm>> -> memref<64x128xf32, #tpu.memory_space<hbm>>
    tpu.enqueue_dma source(%dma_start3A_55 : memref<64x128xf32, #tpu.memory_space<hbm>>) target(%dma_start3A_53 : memref<64x128xf32, #tpu.memory_space<vmem>>) target_semaphore(%arg11 : memref<!tpu.dma_semaphore, #tpu.memory_space<semaphore_mem>>)
    %dma_start3A_56 = tpu.memref_slice %arg3[%mul3A_34] : memref<320000xi32, #tpu.memory_space<hbm>> -> memref<128xi32, #tpu.memory_space<hbm>>
    %dma_start3A_57 = tpu.memref_slice %arg3[%mul3A_34] : memref<320000xi32, #tpu.memory_space<hbm>> -> memref<128xi32, #tpu.memory_space<hbm>>
    tpu.enqueue_dma source(%dma_start3A_57 : memref<128xi32, #tpu.memory_space<hbm>>) target(%arg8 : memref<128xi32, #tpu.memory_space<vmem>>) target_semaphore(%arg11 : memref<!tpu.dma_semaphore, #tpu.memory_space<semaphore_mem>>)
    %add3A_58 = arith.constant 1 : i32
    %add3A_59 = arith.addi %mul3A_30, %add3A_58 : i32
    %mul3A_60 = arith.constant 128 : i32
    %mul3A_61 = arith.muli %add3A_59, %mul3A_60 : i32
    %dma_start3A_62 = arith.constant 0 : i32
    %dma_start3A_63 = arith.constant 0 : i32
    %dma_start3A_64 = tpu.memref_slice %arg6[%dma_start3A_62, %dma_start3A_63] : memref<128x128xf32, #tpu.memory_space<vmem>> -> memref<64x128xf32, #tpu.memory_space<vmem>>
    %dma_start3A_65 = arith.constant 0 : i32
    %dma_start3A_66 = tpu.memref_slice %arg2[%mul3A_61, %dma_start3A_65] : memref<320000x128xf32, #tpu.memory_space<hbm>> -> memref<64x128xf32, #tpu.memory_space<hbm>>
    %dma_start3A_67 = arith.constant 0 : i32
    %dma_start3A_68 = arith.constant 0 : i32
    %dma_start3A_69 = tpu.memref_slice %arg6[%dma_start3A_67, %dma_start3A_68] : memref<128x128xf32, #tpu.memory_space<vmem>> -> memref<64x128xf32, #tpu.memory_space<vmem>>
    %dma_start3A_70 = arith.constant 0 : i32
    %dma_start3A_71 = tpu.memref_slice %arg2[%mul3A_61, %dma_start3A_70] : memref<320000x128xf32, #tpu.memory_space<hbm>> -> memref<64x128xf32, #tpu.memory_space<hbm>>
    tpu.enqueue_dma source(%dma_start3A_71 : memref<64x128xf32, #tpu.memory_space<hbm>>) target(%dma_start3A_69 : memref<64x128xf32, #tpu.memory_space<vmem>>) target_semaphore(%arg12 : memref<!tpu.dma_semaphore, #tpu.memory_space<semaphore_mem>>)
    %add3A_72 = arith.constant 64 : i32
    %add3A_73 = arith.addi %mul3A_61, %add3A_72 : i32
    %dma_start3A_74 = arith.constant 64 : i32
    %dma_start3A_75 = arith.constant 0 : i32
    %dma_start3A_76 = tpu.memref_slice %arg6[%dma_start3A_74, %dma_start3A_75] : memref<128x128xf32, #tpu.memory_space<vmem>> -> memref<64x128xf32, #tpu.memory_space<vmem>>
    %dma_start3A_77 = arith.constant 0 : i32
    %dma_start3A_78 = tpu.memref_slice %arg2[%add3A_73, %dma_start3A_77] : memref<320000x128xf32, #tpu.memory_space<hbm>> -> memref<64x128xf32, #tpu.memory_space<hbm>>
    %dma_start3A_79 = arith.constant 64 : i32
    %dma_start3A_80 = arith.constant 0 : i32
    %dma_start3A_81 = tpu.memref_slice %arg6[%dma_start3A_79, %dma_start3A_80] : memref<128x128xf32, #tpu.memory_space<vmem>> -> memref<64x128xf32, #tpu.memory_space<vmem>>
    %dma_start3A_82 = arith.constant 0 : i32
    %dma_start3A_83 = tpu.memref_slice %arg2[%add3A_73, %dma_start3A_82] : memref<320000x128xf32, #tpu.memory_space<hbm>> -> memref<64x128xf32, #tpu.memory_space<hbm>>
    tpu.enqueue_dma source(%dma_start3A_83 : memref<64x128xf32, #tpu.memory_space<hbm>>) target(%dma_start3A_81 : memref<64x128xf32, #tpu.memory_space<vmem>>) target_semaphore(%arg12 : memref<!tpu.dma_semaphore, #tpu.memory_space<semaphore_mem>>)
    %dma_start3A_84 = tpu.memref_slice %arg3[%mul3A_61] : memref<320000xi32, #tpu.memory_space<hbm>> -> memref<128xi32, #tpu.memory_space<hbm>>
    %dma_start3A_85 = tpu.memref_slice %arg3[%mul3A_61] : memref<320000xi32, #tpu.memory_space<hbm>> -> memref<128xi32, #tpu.memory_space<hbm>>
    tpu.enqueue_dma source(%dma_start3A_85 : memref<128xi32, #tpu.memory_space<hbm>>) target(%arg9 : memref<128xi32, #tpu.memory_space<vmem>>) target_semaphore(%arg12 : memref<!tpu.dma_semaphore, #tpu.memory_space<semaphore_mem>>)
    %add3A_86 = arith.constant 2 : i32
    %add3A_87 = arith.addi %mul3A_30, %add3A_86 : i32
    %mul3A_88 = arith.constant 128 : i32
    %mul3A_89 = arith.muli %add3A_87, %mul3A_88 : i32
    %dma_start3A_90 = arith.constant 0 : i32
    %dma_start3A_91 = arith.constant 0 : i32
    %dma_start3A_92 = tpu.memref_slice %arg7[%dma_start3A_90, %dma_start3A_91] : memref<128x128xf32, #tpu.memory_space<vmem>> -> memref<64x128xf32, #tpu.memory_space<vmem>>
    %dma_start3A_93 = arith.constant 0 : i32
    %dma_start3A_94 = tpu.memref_slice %arg2[%mul3A_89, %dma_start3A_93] : memref<320000x128xf32, #tpu.memory_space<hbm>> -> memref<64x128xf32, #tpu.memory_space<hbm>>
    %dma_start3A_95 = arith.constant 0 : i32
    %dma_start3A_96 = arith.constant 0 : i32
    %dma_start3A_97 = tpu.memref_slice %arg7[%dma_start3A_95, %dma_start3A_96] : memref<128x128xf32, #tpu.memory_space<vmem>> -> memref<64x128xf32, #tpu.memory_space<vmem>>
    %dma_start3A_98 = arith.constant 0 : i32
    %dma_start3A_99 = tpu.memref_slice %arg2[%mul3A_89, %dma_start3A_98] : memref<320000x128xf32, #tpu.memory_space<hbm>> -> memref<64x128xf32, #tpu.memory_space<hbm>>
    tpu.enqueue_dma source(%dma_start3A_99 : memref<64x128xf32, #tpu.memory_space<hbm>>) target(%dma_start3A_97 : memref<64x128xf32, #tpu.memory_space<vmem>>) target_semaphore(%arg13 : memref<!tpu.dma_semaphore, #tpu.memory_space<semaphore_mem>>)
    %add3A_100 = arith.constant 64 : i32
    %add3A_101 = arith.addi %mul3A_89, %add3A_100 : i32
    %dma_start3A_102 = arith.constant 64 : i32
    %dma_start3A_103 = arith.constant 0 : i32
    %dma_start3A_104 = tpu.memref_slice %arg7[%dma_start3A_102, %dma_start3A_103] : memref<128x128xf32, #tpu.memory_space<vmem>> -> memref<64x128xf32, #tpu.memory_space<vmem>>
    %dma_start3A_105 = arith.constant 0 : i32
    %dma_start3A_106 = tpu.memref_slice %arg2[%add3A_101, %dma_start3A_105] : memref<320000x128xf32, #tpu.memory_space<hbm>> -> memref<64x128xf32, #tpu.memory_space<hbm>>
    %dma_start3A_107 = arith.constant 64 : i32
    %dma_start3A_108 = arith.constant 0 : i32
    %dma_start3A_109 = tpu.memref_slice %arg7[%dma_start3A_107, %dma_start3A_108] : memref<128x128xf32, #tpu.memory_space<vmem>> -> memref<64x128xf32, #tpu.memory_space<vmem>>
    %dma_start3A_110 = arith.constant 0 : i32
    %dma_start3A_111 = tpu.memref_slice %arg2[%add3A_101, %dma_start3A_110] : memref<320000x128xf32, #tpu.memory_space<hbm>> -> memref<64x128xf32, #tpu.memory_space<hbm>>
    tpu.enqueue_dma source(%dma_start3A_111 : memref<64x128xf32, #tpu.memory_space<hbm>>) target(%dma_start3A_109 : memref<64x128xf32, #tpu.memory_space<vmem>>) target_semaphore(%arg13 : memref<!tpu.dma_semaphore, #tpu.memory_space<semaphore_mem>>)
    %dma_start3A_112 = tpu.memref_slice %arg3[%mul3A_89] : memref<320000xi32, #tpu.memory_space<hbm>> -> memref<128xi32, #tpu.memory_space<hbm>>
    %dma_start3A_113 = tpu.memref_slice %arg3[%mul3A_89] : memref<320000xi32, #tpu.memory_space<hbm>> -> memref<128xi32, #tpu.memory_space<hbm>>
    tpu.enqueue_dma source(%dma_start3A_113 : memref<128xi32, #tpu.memory_space<hbm>>) target(%arg10 : memref<128xi32, #tpu.memory_space<vmem>>) target_semaphore(%arg13 : memref<!tpu.dma_semaphore, #tpu.memory_space<semaphore_mem>>)
    %scan3A_114 = arith.constant 0 : i32
    %scan3A_115 = arith.constant 0 : i32
    %scan3A_116 = arith.constant 26 : i32
    %scan3A_117 = arith.addi %scan3A_115, %scan3A_116 : i32
    %scan3A_118 = arith.constant 1 : i32
    scf.for %scan3A_142 = %scan3A_115 to %scan3A_117 step %scan3A_118  : i32 {
      %mul3A_143 = arith.constant 3 : i32
      %mul3A_144 = arith.muli %mul3A_143, %scan3A_142 : i32
      %add3A_145 = arith.constant 0 : i32
      %add3A_146 = arith.addi %mul3A_144, %add3A_145 : i32
      %dma_wait3A_147 = arith.constant 0 : i32
      %dma_wait3A_148 = arith.constant 0 : i32
      %dma_wait3A_149 = tpu.memref_slice %arg2[%dma_wait3A_147, %dma_wait3A_148] : memref<320000x128xf32, #tpu.memory_space<hbm>> -> memref<128x128xf32, #tpu.memory_space<hbm>>
      %dma_wait3A_150 = arith.constant 0 : i32
      %dma_wait3A_151 = arith.constant 0 : i32
      %dma_wait3A_152 = tpu.memref_slice %arg2[%dma_wait3A_150, %dma_wait3A_151] : memref<320000x128xf32, #tpu.memory_space<hbm>> -> memref<128x128xf32, #tpu.memory_space<hbm>>
      tpu.wait_dma2 semaphore(%arg11 : memref<!tpu.dma_semaphore, #tpu.memory_space<semaphore_mem>>) src(%dma_wait3A_152 : memref<128x128xf32, #tpu.memory_space<hbm>>) dst(%arg5 : memref<128x128xf32, #tpu.memory_space<vmem>>)
      %dma_wait3A_153 = arith.constant 0 : i32
      %dma_wait3A_154 = tpu.memref_slice %arg3[%dma_wait3A_153] : memref<320000xi32, #tpu.memory_space<hbm>> -> memref<128xi32, #tpu.memory_space<hbm>>
      %dma_wait3A_155 = arith.constant 0 : i32
      %dma_wait3A_156 = tpu.memref_slice %arg3[%dma_wait3A_155] : memref<320000xi32, #tpu.memory_space<hbm>> -> memref<128xi32, #tpu.memory_space<hbm>>
      tpu.wait_dma2 semaphore(%arg11 : memref<!tpu.dma_semaphore, #tpu.memory_space<semaphore_mem>>) src(%dma_wait3A_156 : memref<128xi32, #tpu.memory_space<hbm>>) dst(%arg8 : memref<128xi32, #tpu.memory_space<vmem>>)
      %dma_start3A_157 = arith.constant 0 : i32
      %dma_start3A_158 = arith.constant 0 : i32
      %dma_start3A_159 = tpu.memref_slice %arg17[%dma_start3A_157, %dma_start3A_158] : memref<10000x128xf32, #tpu.memory_space<vmem_shared>> -> memref<10000x128xf32, #tpu.memory_space<vmem_shared>>
      tpu.enqueue_indirect_dma source(%arg5 : memref<128x128xf32, #tpu.memory_space<vmem>>) target(%dma_start3A_159 : memref<10000x128xf32, #tpu.memory_space<vmem_shared>>) offsets(%arg8 : memref<128xi32, #tpu.memory_space<vmem>>) semaphore(%arg14 : memref<!tpu.dma_semaphore, #tpu.memory_space<semaphore_mem>>) {add = true}
      %add3A_160 = arith.constant 3 : i32
      %add3A_161 = arith.addi %add3A_146, %add3A_160 : i32
      %lt3A_162 = arith.constant 78 : i32
      %lt3A_163 = arith.cmpi slt, %add3A_161, %lt3A_162 : i32
      %convert_element_type3A_164 = arith.extui %lt3A_163 : i1 to i32
      %cond3A_165 = arith.constant 0 : i32
      %cond3A_166 = arith.cmpi ne, %convert_element_type3A_164, %cond3A_165 : i32
      scf.if %cond3A_166 {
        %dma_wait3A_215 = arith.constant 0 : i32
        %dma_wait3A_216 = arith.constant 0 : i32
        %dma_wait3A_217 = tpu.memref_slice %arg17[%dma_wait3A_215, %dma_wait3A_216] : memref<10000x128xf32, #tpu.memory_space<vmem_shared>> -> memref<10000x128xf32, #tpu.memory_space<vmem_shared>>
        tpu.wait_indirect_dma semaphore(%arg14 : memref<!tpu.dma_semaphore, #tpu.memory_space<semaphore_mem>>) src(%arg5 : memref<128x128xf32, #tpu.memory_space<vmem>>) dst(%dma_wait3A_217 : memref<10000x128xf32, #tpu.memory_space<vmem_shared>>)
        %add3A_218 = arith.constant 3 : i32
        %add3A_219 = arith.addi %add3A_146, %add3A_218 : i32
        %add3A_220 = arith.addi %mul3A_30, %add3A_219 : i32
        %mul3A_221 = arith.constant 128 : i32
        %mul3A_222 = arith.muli %add3A_220, %mul3A_221 : i32
        %dma_start3A_223 = arith.constant 0 : i32
        %dma_start3A_224 = arith.constant 0 : i32
        %dma_start3A_225 = tpu.memref_slice %arg5[%dma_start3A_223, %dma_start3A_224] : memref<128x128xf32, #tpu.memory_space<vmem>> -> memref<64x128xf32, #tpu.memory_space<vmem>>
        %dma_start3A_226 = arith.constant 0 : i32
        %dma_start3A_227 = tpu.memref_slice %arg2[%mul3A_222, %dma_start3A_226] : memref<320000x128xf32, #tpu.memory_space<hbm>> -> memref<64x128xf32, #tpu.memory_space<hbm>>
        %dma_start3A_228 = arith.constant 0 : i32
        %dma_start3A_229 = arith.constant 0 : i32
        %dma_start3A_230 = tpu.memref_slice %arg5[%dma_start3A_228, %dma_start3A_229] : memref<128x128xf32, #tpu.memory_space<vmem>> -> memref<64x128xf32, #tpu.memory_space<vmem>>
        %dma_start3A_231 = arith.constant 0 : i32
        %dma_start3A_232 = tpu.memref_slice %arg2[%mul3A_222, %dma_start3A_231] : memref<320000x128xf32, #tpu.memory_space<hbm>> -> memref<64x128xf32, #tpu.memory_space<hbm>>
        tpu.enqueue_dma source(%dma_start3A_232 : memref<64x128xf32, #tpu.memory_space<hbm>>) target(%dma_start3A_230 : memref<64x128xf32, #tpu.memory_space<vmem>>) target_semaphore(%arg11 : memref<!tpu.dma_semaphore, #tpu.memory_space<semaphore_mem>>)
        %add3A_233 = arith.constant 64 : i32
        %add3A_234 = arith.addi %mul3A_222, %add3A_233 : i32
        %dma_start3A_235 = arith.constant 64 : i32
        %dma_start3A_236 = arith.constant 0 : i32
        %dma_start3A_237 = tpu.memref_slice %arg5[%dma_start3A_235, %dma_start3A_236] : memref<128x128xf32, #tpu.memory_space<vmem>> -> memref<64x128xf32, #tpu.memory_space<vmem>>
        %dma_start3A_238 = arith.constant 0 : i32
        %dma_start3A_239 = tpu.memref_slice %arg2[%add3A_234, %dma_start3A_238] : memref<320000x128xf32, #tpu.memory_space<hbm>> -> memref<64x128xf32, #tpu.memory_space<hbm>>
        %dma_start3A_240 = arith.constant 64 : i32
        %dma_start3A_241 = arith.constant 0 : i32
        %dma_start3A_242 = tpu.memref_slice %arg5[%dma_start3A_240, %dma_start3A_241] : memref<128x128xf32, #tpu.memory_space<vmem>> -> memref<64x128xf32, #tpu.memory_space<vmem>>
        %dma_start3A_243 = arith.constant 0 : i32
        %dma_start3A_244 = tpu.memref_slice %arg2[%add3A_234, %dma_start3A_243] : memref<320000x128xf32, #tpu.memory_space<hbm>> -> memref<64x128xf32, #tpu.memory_space<hbm>>
        tpu.enqueue_dma source(%dma_start3A_244 : memref<64x128xf32, #tpu.memory_space<hbm>>) target(%dma_start3A_242 : memref<64x128xf32, #tpu.memory_space<vmem>>) target_semaphore(%arg11 : memref<!tpu.dma_semaphore, #tpu.memory_space<semaphore_mem>>)
        %dma_start3A_245 = tpu.memref_slice %arg3[%mul3A_222] : memref<320000xi32, #tpu.memory_space<hbm>> -> memref<128xi32, #tpu.memory_space<hbm>>
        %dma_start3A_246 = tpu.memref_slice %arg3[%mul3A_222] : memref<320000xi32, #tpu.memory_space<hbm>> -> memref<128xi32, #tpu.memory_space<hbm>>
        tpu.enqueue_dma source(%dma_start3A_246 : memref<128xi32, #tpu.memory_space<hbm>>) target(%arg8 : memref<128xi32, #tpu.memory_space<vmem>>) target_semaphore(%arg11 : memref<!tpu.dma_semaphore, #tpu.memory_space<semaphore_mem>>)
      } else {
      }
      %mul3A_167 = arith.constant 3 : i32
      %mul3A_168 = arith.muli %mul3A_167, %scan3A_142 : i32
      %add3A_169 = arith.constant 1 : i32
      %add3A_170 = arith.addi %mul3A_168, %add3A_169 : i32
      %dma_wait3A_171 = arith.constant 0 : i32
      %dma_wait3A_172 = arith.constant 0 : i32
      %dma_wait3A_173 = tpu.memref_slice %arg2[%dma_wait3A_171, %dma_wait3A_172] : memref<320000x128xf32, #tpu.memory_space<hbm>> -> memref<128x128xf32, #tpu.memory_space<hbm>>
      %dma_wait3A_174 = arith.constant 0 : i32
      %dma_wait3A_175 = arith.constant 0 : i32
      %dma_wait3A_176 = tpu.memref_slice %arg2[%dma_wait3A_174, %dma_wait3A_175] : memref<320000x128xf32, #tpu.memory_space<hbm>> -> memref<128x128xf32, #tpu.memory_space<hbm>>
      tpu.wait_dma2 semaphore(%arg12 : memref<!tpu.dma_semaphore, #tpu.memory_space<semaphore_mem>>) src(%dma_wait3A_176 : memref<128x128xf32, #tpu.memory_space<hbm>>) dst(%arg6 : memref<128x128xf32, #tpu.memory_space<vmem>>)
      %dma_wait3A_177 = arith.constant 0 : i32
      %dma_wait3A_178 = tpu.memref_slice %arg3[%dma_wait3A_177] : memref<320000xi32, #tpu.memory_space<hbm>> -> memref<128xi32, #tpu.memory_space<hbm>>
      %dma_wait3A_179 = arith.constant 0 : i32
      %dma_wait3A_180 = tpu.memref_slice %arg3[%dma_wait3A_179] : memref<320000xi32, #tpu.memory_space<hbm>> -> memref<128xi32, #tpu.memory_space<hbm>>
      tpu.wait_dma2 semaphore(%arg12 : memref<!tpu.dma_semaphore, #tpu.memory_space<semaphore_mem>>) src(%dma_wait3A_180 : memref<128xi32, #tpu.memory_space<hbm>>) dst(%arg9 : memref<128xi32, #tpu.memory_space<vmem>>)
      %dma_start3A_181 = arith.constant 0 : i32
      %dma_start3A_182 = arith.constant 0 : i32
      %dma_start3A_183 = tpu.memref_slice %arg17[%dma_start3A_181, %dma_start3A_182] : memref<10000x128xf32, #tpu.memory_space<vmem_shared>> -> memref<10000x128xf32, #tpu.memory_space<vmem_shared>>
      tpu.enqueue_indirect_dma source(%arg6 : memref<128x128xf32, #tpu.memory_space<vmem>>) target(%dma_start3A_183 : memref<10000x128xf32, #tpu.memory_space<vmem_shared>>) offsets(%arg9 : memref<128xi32, #tpu.memory_space<vmem>>) semaphore(%arg15 : memref<!tpu.dma_semaphore, #tpu.memory_space<semaphore_mem>>) {add = true}
      %add3A_184 = arith.constant 3 : i32
      %add3A_185 = arith.addi %add3A_170, %add3A_184 : i32
      %lt3A_186 = arith.constant 78 : i32
      %lt3A_187 = arith.cmpi slt, %add3A_185, %lt3A_186 : i32
      %convert_element_type3A_188 = arith.extui %lt3A_187 : i1 to i32
      %cond3A_189 = arith.constant 0 : i32
      %cond3A_190 = arith.cmpi ne, %convert_element_type3A_188, %cond3A_189 : i32
      scf.if %cond3A_190 {
        %dma_wait3A_215 = arith.constant 0 : i32
        %dma_wait3A_216 = arith.constant 0 : i32
        %dma_wait3A_217 = tpu.memref_slice %arg17[%dma_wait3A_215, %dma_wait3A_216] : memref<10000x128xf32, #tpu.memory_space<vmem_shared>> -> memref<10000x128xf32, #tpu.memory_space<vmem_shared>>
        tpu.wait_indirect_dma semaphore(%arg15 : memref<!tpu.dma_semaphore, #tpu.memory_space<semaphore_mem>>) src(%arg6 : memref<128x128xf32, #tpu.memory_space<vmem>>) dst(%dma_wait3A_217 : memref<10000x128xf32, #tpu.memory_space<vmem_shared>>)
        %add3A_218 = arith.constant 3 : i32
        %add3A_219 = arith.addi %add3A_170, %add3A_218 : i32
        %add3A_220 = arith.addi %mul3A_30, %add3A_219 : i32
        %mul3A_221 = arith.constant 128 : i32
        %mul3A_222 = arith.muli %add3A_220, %mul3A_221 : i32
        %dma_start3A_223 = arith.constant 0 : i32
        %dma_start3A_224 = arith.constant 0 : i32
        %dma_start3A_225 = tpu.memref_slice %arg6[%dma_start3A_223, %dma_start3A_224] : memref<128x128xf32, #tpu.memory_space<vmem>> -> memref<64x128xf32, #tpu.memory_space<vmem>>
        %dma_start3A_226 = arith.constant 0 : i32
        %dma_start3A_227 = tpu.memref_slice %arg2[%mul3A_222, %dma_start3A_226] : memref<320000x128xf32, #tpu.memory_space<hbm>> -> memref<64x128xf32, #tpu.memory_space<hbm>>
        %dma_start3A_228 = arith.constant 0 : i32
        %dma_start3A_229 = arith.constant 0 : i32
        %dma_start3A_230 = tpu.memref_slice %arg6[%dma_start3A_228, %dma_start3A_229] : memref<128x128xf32, #tpu.memory_space<vmem>> -> memref<64x128xf32, #tpu.memory_space<vmem>>
        %dma_start3A_231 = arith.constant 0 : i32
        %dma_start3A_232 = tpu.memref_slice %arg2[%mul3A_222, %dma_start3A_231] : memref<320000x128xf32, #tpu.memory_space<hbm>> -> memref<64x128xf32, #tpu.memory_space<hbm>>
        tpu.enqueue_dma source(%dma_start3A_232 : memref<64x128xf32, #tpu.memory_space<hbm>>) target(%dma_start3A_230 : memref<64x128xf32, #tpu.memory_space<vmem>>) target_semaphore(%arg12 : memref<!tpu.dma_semaphore, #tpu.memory_space<semaphore_mem>>)
        %add3A_233 = arith.constant 64 : i32
        %add3A_234 = arith.addi %mul3A_222, %add3A_233 : i32
        %dma_start3A_235 = arith.constant 64 : i32
        %dma_start3A_236 = arith.constant 0 : i32
        %dma_start3A_237 = tpu.memref_slice %arg6[%dma_start3A_235, %dma_start3A_236] : memref<128x128xf32, #tpu.memory_space<vmem>> -> memref<64x128xf32, #tpu.memory_space<vmem>>
        %dma_start3A_238 = arith.constant 0 : i32
        %dma_start3A_239 = tpu.memref_slice %arg2[%add3A_234, %dma_start3A_238] : memref<320000x128xf32, #tpu.memory_space<hbm>> -> memref<64x128xf32, #tpu.memory_space<hbm>>
        %dma_start3A_240 = arith.constant 64 : i32
        %dma_start3A_241 = arith.constant 0 : i32
        %dma_start3A_242 = tpu.memref_slice %arg6[%dma_start3A_240, %dma_start3A_241] : memref<128x128xf32, #tpu.memory_space<vmem>> -> memref<64x128xf32, #tpu.memory_space<vmem>>
        %dma_start3A_243 = arith.constant 0 : i32
        %dma_start3A_244 = tpu.memref_slice %arg2[%add3A_234, %dma_start3A_243] : memref<320000x128xf32, #tpu.memory_space<hbm>> -> memref<64x128xf32, #tpu.memory_space<hbm>>
        tpu.enqueue_dma source(%dma_start3A_244 : memref<64x128xf32, #tpu.memory_space<hbm>>) target(%dma_start3A_242 : memref<64x128xf32, #tpu.memory_space<vmem>>) target_semaphore(%arg12 : memref<!tpu.dma_semaphore, #tpu.memory_space<semaphore_mem>>)
        %dma_start3A_245 = tpu.memref_slice %arg3[%mul3A_222] : memref<320000xi32, #tpu.memory_space<hbm>> -> memref<128xi32, #tpu.memory_space<hbm>>
        %dma_start3A_246 = tpu.memref_slice %arg3[%mul3A_222] : memref<320000xi32, #tpu.memory_space<hbm>> -> memref<128xi32, #tpu.memory_space<hbm>>
        tpu.enqueue_dma source(%dma_start3A_246 : memref<128xi32, #tpu.memory_space<hbm>>) target(%arg9 : memref<128xi32, #tpu.memory_space<vmem>>) target_semaphore(%arg12 : memref<!tpu.dma_semaphore, #tpu.memory_space<semaphore_mem>>)
      } else {
      }
      %mul3A_191 = arith.constant 3 : i32
      %mul3A_192 = arith.muli %mul3A_191, %scan3A_142 : i32
      %add3A_193 = arith.constant 2 : i32
      %add3A_194 = arith.addi %mul3A_192, %add3A_193 : i32
      %dma_wait3A_195 = arith.constant 0 : i32
      %dma_wait3A_196 = arith.constant 0 : i32
      %dma_wait3A_197 = tpu.memref_slice %arg2[%dma_wait3A_195, %dma_wait3A_196] : memref<320000x128xf32, #tpu.memory_space<hbm>> -> memref<128x128xf32, #tpu.memory_space<hbm>>
      %dma_wait3A_198 = arith.constant 0 : i32
      %dma_wait3A_199 = arith.constant 0 : i32
      %dma_wait3A_200 = tpu.memref_slice %arg2[%dma_wait3A_198, %dma_wait3A_199] : memref<320000x128xf32, #tpu.memory_space<hbm>> -> memref<128x128xf32, #tpu.memory_space<hbm>>
      tpu.wait_dma2 semaphore(%arg13 : memref<!tpu.dma_semaphore, #tpu.memory_space<semaphore_mem>>) src(%dma_wait3A_200 : memref<128x128xf32, #tpu.memory_space<hbm>>) dst(%arg7 : memref<128x128xf32, #tpu.memory_space<vmem>>)
      %dma_wait3A_201 = arith.constant 0 : i32
      %dma_wait3A_202 = tpu.memref_slice %arg3[%dma_wait3A_201] : memref<320000xi32, #tpu.memory_space<hbm>> -> memref<128xi32, #tpu.memory_space<hbm>>
      %dma_wait3A_203 = arith.constant 0 : i32
      %dma_wait3A_204 = tpu.memref_slice %arg3[%dma_wait3A_203] : memref<320000xi32, #tpu.memory_space<hbm>> -> memref<128xi32, #tpu.memory_space<hbm>>
      tpu.wait_dma2 semaphore(%arg13 : memref<!tpu.dma_semaphore, #tpu.memory_space<semaphore_mem>>) src(%dma_wait3A_204 : memref<128xi32, #tpu.memory_space<hbm>>) dst(%arg10 : memref<128xi32, #tpu.memory_space<vmem>>)
      %dma_start3A_205 = arith.constant 0 : i32
      %dma_start3A_206 = arith.constant 0 : i32
      %dma_start3A_207 = tpu.memref_slice %arg17[%dma_start3A_205, %dma_start3A_206] : memref<10000x128xf32, #tpu.memory_space<vmem_shared>> -> memref<10000x128xf32, #tpu.memory_space<vmem_shared>>
      tpu.enqueue_indirect_dma source(%arg7 : memref<128x128xf32, #tpu.memory_space<vmem>>) target(%dma_start3A_207 : memref<10000x128xf32, #tpu.memory_space<vmem_shared>>) offsets(%arg10 : memref<128xi32, #tpu.memory_space<vmem>>) semaphore(%arg16 : memref<!tpu.dma_semaphore, #tpu.memory_space<semaphore_mem>>) {add = true}
      %add3A_208 = arith.constant 3 : i32
      %add3A_209 = arith.addi %add3A_194, %add3A_208 : i32
      %lt3A_210 = arith.constant 78 : i32
      %lt3A_211 = arith.cmpi slt, %add3A_209, %lt3A_210 : i32
      %convert_element_type3A_212 = arith.extui %lt3A_211 : i1 to i32
      %cond3A_213 = arith.constant 0 : i32
      %cond3A_214 = arith.cmpi ne, %convert_element_type3A_212, %cond3A_213 : i32
      scf.if %cond3A_214 {
        %dma_wait3A_215 = arith.constant 0 : i32
        %dma_wait3A_216 = arith.constant 0 : i32
        %dma_wait3A_217 = tpu.memref_slice %arg17[%dma_wait3A_215, %dma_wait3A_216] : memref<10000x128xf32, #tpu.memory_space<vmem_shared>> -> memref<10000x128xf32, #tpu.memory_space<vmem_shared>>
        tpu.wait_indirect_dma semaphore(%arg16 : memref<!tpu.dma_semaphore, #tpu.memory_space<semaphore_mem>>) src(%arg7 : memref<128x128xf32, #tpu.memory_space<vmem>>) dst(%dma_wait3A_217 : memref<10000x128xf32, #tpu.memory_space<vmem_shared>>)
        %add3A_218 = arith.constant 3 : i32
        %add3A_219 = arith.addi %add3A_194, %add3A_218 : i32
        %add3A_220 = arith.addi %mul3A_30, %add3A_219 : i32
        %mul3A_221 = arith.constant 128 : i32
        %mul3A_222 = arith.muli %add3A_220, %mul3A_221 : i32
        %dma_start3A_223 = arith.constant 0 : i32
        %dma_start3A_224 = arith.constant 0 : i32
        %dma_start3A_225 = tpu.memref_slice %arg7[%dma_start3A_223, %dma_start3A_224] : memref<128x128xf32, #tpu.memory_space<vmem>> -> memref<64x128xf32, #tpu.memory_space<vmem>>
        %dma_start3A_226 = arith.constant 0 : i32
        %dma_start3A_227 = tpu.memref_slice %arg2[%mul3A_222, %dma_start3A_226] : memref<320000x128xf32, #tpu.memory_space<hbm>> -> memref<64x128xf32, #tpu.memory_space<hbm>>
        %dma_start3A_228 = arith.constant 0 : i32
        %dma_start3A_229 = arith.constant 0 : i32
        %dma_start3A_230 = tpu.memref_slice %arg7[%dma_start3A_228, %dma_start3A_229] : memref<128x128xf32, #tpu.memory_space<vmem>> -> memref<64x128xf32, #tpu.memory_space<vmem>>
        %dma_start3A_231 = arith.constant 0 : i32
        %dma_start3A_232 = tpu.memref_slice %arg2[%mul3A_222, %dma_start3A_231] : memref<320000x128xf32, #tpu.memory_space<hbm>> -> memref<64x128xf32, #tpu.memory_space<hbm>>
        tpu.enqueue_dma source(%dma_start3A_232 : memref<64x128xf32, #tpu.memory_space<hbm>>) target(%dma_start3A_230 : memref<64x128xf32, #tpu.memory_space<vmem>>) target_semaphore(%arg13 : memref<!tpu.dma_semaphore, #tpu.memory_space<semaphore_mem>>)
        %add3A_233 = arith.constant 64 : i32
        %add3A_234 = arith.addi %mul3A_222, %add3A_233 : i32
        %dma_start3A_235 = arith.constant 64 : i32
        %dma_start3A_236 = arith.constant 0 : i32
        %dma_start3A_237 = tpu.memref_slice %arg7[%dma_start3A_235, %dma_start3A_236] : memref<128x128xf32, #tpu.memory_space<vmem>> -> memref<64x128xf32, #tpu.memory_space<vmem>>
        %dma_start3A_238 = arith.constant 0 : i32
        %dma_start3A_239 = tpu.memref_slice %arg2[%add3A_234, %dma_start3A_238] : memref<320000x128xf32, #tpu.memory_space<hbm>> -> memref<64x128xf32, #tpu.memory_space<hbm>>
        %dma_start3A_240 = arith.constant 64 : i32
        %dma_start3A_241 = arith.constant 0 : i32
        %dma_start3A_242 = tpu.memref_slice %arg7[%dma_start3A_240, %dma_start3A_241] : memref<128x128xf32, #tpu.memory_space<vmem>> -> memref<64x128xf32, #tpu.memory_space<vmem>>
        %dma_start3A_243 = arith.constant 0 : i32
        %dma_start3A_244 = tpu.memref_slice %arg2[%add3A_234, %dma_start3A_243] : memref<320000x128xf32, #tpu.memory_space<hbm>> -> memref<64x128xf32, #tpu.memory_space<hbm>>
        tpu.enqueue_dma source(%dma_start3A_244 : memref<64x128xf32, #tpu.memory_space<hbm>>) target(%dma_start3A_242 : memref<64x128xf32, #tpu.memory_space<vmem>>) target_semaphore(%arg13 : memref<!tpu.dma_semaphore, #tpu.memory_space<semaphore_mem>>)
        %dma_start3A_245 = tpu.memref_slice %arg3[%mul3A_222] : memref<320000xi32, #tpu.memory_space<hbm>> -> memref<128xi32, #tpu.memory_space<hbm>>
        %dma_start3A_246 = tpu.memref_slice %arg3[%mul3A_222] : memref<320000xi32, #tpu.memory_space<hbm>> -> memref<128xi32, #tpu.memory_space<hbm>>
        tpu.enqueue_dma source(%dma_start3A_246 : memref<128xi32, #tpu.memory_space<hbm>>) target(%arg10 : memref<128xi32, #tpu.memory_space<vmem>>) target_semaphore(%arg13 : memref<!tpu.dma_semaphore, #tpu.memory_space<semaphore_mem>>)
      } else {
      }
    }
    %scan3A_119 = arith.constant 26 : i32
    %dma_wait3A = arith.constant 0 : i32
    %dma_wait3A_120 = arith.constant 0 : i32
    %dma_wait3A_121 = tpu.memref_slice %arg17[%dma_wait3A, %dma_wait3A_120] : memref<10000x128xf32, #tpu.memory_space<vmem_shared>> -> memref<10000x128xf32, #tpu.memory_space<vmem_shared>>
    tpu.wait_indirect_dma semaphore(%arg14 : memref<!tpu.dma_semaphore, #tpu.memory_space<semaphore_mem>>) src(%arg5 : memref<128x128xf32, #tpu.memory_space<vmem>>) dst(%dma_wait3A_121 : memref<10000x128xf32, #tpu.memory_space<vmem_shared>>)
    %dma_wait3A_122 = arith.constant 0 : i32
    %dma_wait3A_123 = arith.constant 0 : i32
    %dma_wait3A_124 = tpu.memref_slice %arg17[%dma_wait3A_122, %dma_wait3A_123] : memref<10000x128xf32, #tpu.memory_space<vmem_shared>> -> memref<10000x128xf32, #tpu.memory_space<vmem_shared>>
    tpu.wait_indirect_dma semaphore(%arg15 : memref<!tpu.dma_semaphore, #tpu.memory_space<semaphore_mem>>) src(%arg6 : memref<128x128xf32, #tpu.memory_space<vmem>>) dst(%dma_wait3A_124 : memref<10000x128xf32, #tpu.memory_space<vmem_shared>>)
    %dma_wait3A_125 = arith.constant 0 : i32
    %dma_wait3A_126 = arith.constant 0 : i32
    %dma_wait3A_127 = tpu.memref_slice %arg17[%dma_wait3A_125, %dma_wait3A_126] : memref<10000x128xf32, #tpu.memory_space<vmem_shared>> -> memref<10000x128xf32, #tpu.memory_space<vmem_shared>>
    tpu.wait_indirect_dma semaphore(%arg16 : memref<!tpu.dma_semaphore, #tpu.memory_space<semaphore_mem>>) src(%arg7 : memref<128x128xf32, #tpu.memory_space<vmem>>) dst(%dma_wait3A_127 : memref<10000x128xf32, #tpu.memory_space<vmem_shared>>)
    %lt3A = arith.constant 4 : i32
    %lt3A_128 = arith.cmpi slt, %add3A, %lt3A : i32
    %convert_element_type3A_129 = arith.extui %lt3A_128 : i1 to i32
    %cond3A_130 = arith.constant 0 : i32
    %cond3A_131 = arith.cmpi ne, %convert_element_type3A_129, %cond3A_130 : i32
    scf.if %cond3A_131 {
      %add3A_142 = arith.constant 2496 : i32
      %add3A_143 = arith.addi %add3A_142, %add3A : i32
      %mul3A_144 = arith.constant 128 : i32
      %mul3A_145 = arith.muli %add3A_143, %mul3A_144 : i32
      "tpu.region"() ({
        %run_scoped3A = tpu.sem_alloc : memref<!tpu.dma_semaphore, #tpu.memory_space<semaphore_mem>>
        %dma_start3A_148 = arith.constant 0 : i32
        %dma_start3A_149 = tpu.memref_slice %arg2[%mul3A_145, %dma_start3A_148] : memref<320000x128xf32, #tpu.memory_space<hbm>> -> memref<128x128xf32, #tpu.memory_space<hbm>>
        %dma_start3A_150 = arith.constant 0 : i32
        %dma_start3A_151 = tpu.memref_slice %arg2[%mul3A_145, %dma_start3A_150] : memref<320000x128xf32, #tpu.memory_space<hbm>> -> memref<128x128xf32, #tpu.memory_space<hbm>>
        tpu.enqueue_dma source(%dma_start3A_151 : memref<128x128xf32, #tpu.memory_space<hbm>>) target(%arg5 : memref<128x128xf32, #tpu.memory_space<vmem>>) target_semaphore(%run_scoped3A : memref<!tpu.dma_semaphore, #tpu.memory_space<semaphore_mem>>)
        %dma_wait3A_152 = arith.constant 0 : i32
        %dma_wait3A_153 = tpu.memref_slice %arg2[%mul3A_145, %dma_wait3A_152] : memref<320000x128xf32, #tpu.memory_space<hbm>> -> memref<128x128xf32, #tpu.memory_space<hbm>>
        %dma_wait3A_154 = arith.constant 0 : i32
        %dma_wait3A_155 = tpu.memref_slice %arg2[%mul3A_145, %dma_wait3A_154] : memref<320000x128xf32, #tpu.memory_space<hbm>> -> memref<128x128xf32, #tpu.memory_space<hbm>>
        tpu.wait_dma2 semaphore(%run_scoped3A : memref<!tpu.dma_semaphore, #tpu.memory_space<semaphore_mem>>) src(%dma_wait3A_155 : memref<128x128xf32, #tpu.memory_space<hbm>>) dst(%arg5 : memref<128x128xf32, #tpu.memory_space<vmem>>)
        tpu.yield
      }) : () -> ()
      %mul3A_146 = arith.constant 128 : i32
      %mul3A_147 = arith.muli %add3A_143, %mul3A_146 : i32
      "tpu.region"() ({
        %run_scoped3A = tpu.sem_alloc : memref<!tpu.dma_semaphore, #tpu.memory_space<semaphore_mem>>
        %dma_start3A_148 = tpu.memref_slice %arg3[%mul3A_147] : memref<320000xi32, #tpu.memory_space<hbm>> -> memref<128xi32, #tpu.memory_space<hbm>>
        %dma_start3A_149 = tpu.memref_slice %arg3[%mul3A_147] : memref<320000xi32, #tpu.memory_space<hbm>> -> memref<128xi32, #tpu.memory_space<hbm>>
        tpu.enqueue_dma source(%dma_start3A_149 : memref<128xi32, #tpu.memory_space<hbm>>) target(%arg8 : memref<128xi32, #tpu.memory_space<vmem>>) target_semaphore(%run_scoped3A : memref<!tpu.dma_semaphore, #tpu.memory_space<semaphore_mem>>)
        %dma_wait3A_150 = tpu.memref_slice %arg3[%mul3A_147] : memref<320000xi32, #tpu.memory_space<hbm>> -> memref<128xi32, #tpu.memory_space<hbm>>
        %dma_wait3A_151 = tpu.memref_slice %arg3[%mul3A_147] : memref<320000xi32, #tpu.memory_space<hbm>> -> memref<128xi32, #tpu.memory_space<hbm>>
        tpu.wait_dma2 semaphore(%run_scoped3A : memref<!tpu.dma_semaphore, #tpu.memory_space<semaphore_mem>>) src(%dma_wait3A_151 : memref<128xi32, #tpu.memory_space<hbm>>) dst(%arg8 : memref<128xi32, #tpu.memory_space<vmem>>)
        tpu.yield
      }) : () -> ()
      "tpu.region"() ({
        %run_scoped3A = tpu.sem_alloc : memref<!tpu.dma_semaphore, #tpu.memory_space<semaphore_mem>>
        %dma_start3A_148 = arith.constant 0 : i32
        %dma_start3A_149 = arith.constant 0 : i32
        %dma_start3A_150 = tpu.memref_slice %arg17[%dma_start3A_148, %dma_start3A_149] : memref<10000x128xf32, #tpu.memory_space<vmem_shared>> -> memref<10000x128xf32, #tpu.memory_space<vmem_shared>>
        tpu.enqueue_indirect_dma source(%arg5 : memref<128x128xf32, #tpu.memory_space<vmem>>) target(%dma_start3A_150 : memref<10000x128xf32, #tpu.memory_space<vmem_shared>>) offsets(%arg8 : memref<128xi32, #tpu.memory_space<vmem>>) semaphore(%run_scoped3A : memref<!tpu.dma_semaphore, #tpu.memory_space<semaphore_mem>>) {add = true}
        %dma_wait3A_151 = arith.constant 0 : i32
        %dma_wait3A_152 = arith.constant 0 : i32
        %dma_wait3A_153 = tpu.memref_slice %arg17[%dma_wait3A_151, %dma_wait3A_152] : memref<10000x128xf32, #tpu.memory_space<vmem_shared>> -> memref<10000x128xf32, #tpu.memory_space<vmem_shared>>
        tpu.wait_indirect_dma semaphore(%run_scoped3A : memref<!tpu.dma_semaphore, #tpu.memory_space<semaphore_mem>>) src(%arg5 : memref<128x128xf32, #tpu.memory_space<vmem>>) dst(%dma_wait3A_153 : memref<10000x128xf32, #tpu.memory_space<vmem_shared>>)
        tpu.yield
      }) : () -> ()
    } else {
    }
    %barrier3A_132 = arith.constant 0 : index
    tpu.barrier barrier_id(%barrier3A_132)
    %mul3A_133 = arith.constant 624 : i32
    %mul3A_134 = arith.muli %arg1, %mul3A_133 : i32
    %mul3A_135 = arith.constant 624 : i32
    %mul3A_136 = arith.muli %arg1, %mul3A_135 : i32
    "tpu.region"() ({
      %run_scoped3A = tpu.sem_alloc : memref<!tpu.dma_semaphore, #tpu.memory_space<semaphore_mem>>
      %dma_start3A_142 = arith.constant 0 : i32
      %dma_start3A_143 = tpu.memref_slice %arg4[%arg0, %mul3A_136, %dma_start3A_142] : memref<2x10000x128xf32, #tpu.memory_space<hbm>> -> memref<1x624x128xf32, #tpu.memory_space<hbm>>
      %dma_start3A_144 = tpu.memref_squeeze %dma_start3A_143 : memref<1x624x128xf32, #tpu.memory_space<hbm>> -> memref<624x128xf32, #tpu.memory_space<hbm>>
      %dma_start3A_145 = arith.constant 0 : i32
      %dma_start3A_146 = tpu.memref_slice %arg17[%mul3A_134, %dma_start3A_145] : memref<10000x128xf32, #tpu.memory_space<vmem_shared>> -> memref<624x128xf32, #tpu.memory_space<vmem_shared>>
      tpu.enqueue_dma source(%dma_start3A_146 : memref<624x128xf32, #tpu.memory_space<vmem_shared>>) target(%dma_start3A_144 : memref<624x128xf32, #tpu.memory_space<hbm>>) target_semaphore(%run_scoped3A : memref<!tpu.dma_semaphore, #tpu.memory_space<semaphore_mem>>)
      %dma_wait3A_147 = arith.constant 0 : i32
      %dma_wait3A_148 = tpu.memref_slice %arg4[%arg0, %mul3A_136, %dma_wait3A_147] : memref<2x10000x128xf32, #tpu.memory_space<hbm>> -> memref<1x624x128xf32, #tpu.memory_space<hbm>>
      %dma_wait3A_149 = tpu.memref_squeeze %dma_wait3A_148 : memref<1x624x128xf32, #tpu.memory_space<hbm>> -> memref<624x128xf32, #tpu.memory_space<hbm>>
      %dma_wait3A_150 = arith.constant 0 : i32
      %dma_wait3A_151 = tpu.memref_slice %arg17[%mul3A_134, %dma_wait3A_150] : memref<10000x128xf32, #tpu.memory_space<vmem_shared>> -> memref<624x128xf32, #tpu.memory_space<vmem_shared>>
      tpu.wait_dma2 semaphore(%run_scoped3A : memref<!tpu.dma_semaphore, #tpu.memory_space<semaphore_mem>>) src(%dma_wait3A_151 : memref<624x128xf32, #tpu.memory_space<vmem_shared>>) dst(%dma_wait3A_149 : memref<624x128xf32, #tpu.memory_space<hbm>>)
      tpu.yield
    }) : () -> ()
    %eq3A_137 = arith.constant 15 : i32
    %eq3A_138 = arith.cmpi eq, %arg1, %eq3A_137 : i32
    %convert_element_type3A_139 = arith.extui %eq3A_138 : i1 to i32
    %cond3A_140 = arith.constant 0 : i32
    %cond3A_141 = arith.cmpi ne, %convert_element_type3A_139, %cond3A_140 : i32
    scf.if %cond3A_141 {
      "tpu.region"() ({
        %run_scoped3A = tpu.sem_alloc : memref<!tpu.dma_semaphore, #tpu.memory_space<semaphore_mem>>
        %dma_start3A_142 = arith.constant 9984 : i32
        %dma_start3A_143 = arith.constant 0 : i32
        %dma_start3A_144 = tpu.memref_slice %arg4[%arg0, %dma_start3A_142, %dma_start3A_143] : memref<2x10000x128xf32, #tpu.memory_space<hbm>> -> memref<1x16x128xf32, #tpu.memory_space<hbm>>
        %dma_start3A_145 = tpu.memref_squeeze %dma_start3A_144 : memref<1x16x128xf32, #tpu.memory_space<hbm>> -> memref<16x128xf32, #tpu.memory_space<hbm>>
        %dma_start3A_146 = arith.constant 9984 : i32
        %dma_start3A_147 = arith.constant 0 : i32
        %dma_start3A_148 = tpu.memref_slice %arg17[%dma_start3A_146, %dma_start3A_147] : memref<10000x128xf32, #tpu.memory_space<vmem_shared>> -> memref<16x128xf32, #tpu.memory_space<vmem_shared>>
        tpu.enqueue_dma source(%dma_start3A_148 : memref<16x128xf32, #tpu.memory_space<vmem_shared>>) target(%dma_start3A_145 : memref<16x128xf32, #tpu.memory_space<hbm>>) target_semaphore(%run_scoped3A : memref<!tpu.dma_semaphore, #tpu.memory_space<semaphore_mem>>)
        %dma_wait3A_149 = arith.constant 9984 : i32
        %dma_wait3A_150 = arith.constant 0 : i32
        %dma_wait3A_151 = tpu.memref_slice %arg4[%arg0, %dma_wait3A_149, %dma_wait3A_150] : memref<2x10000x128xf32, #tpu.memory_space<hbm>> -> memref<1x16x128xf32, #tpu.memory_space<hbm>>
        %dma_wait3A_152 = tpu.memref_squeeze %dma_wait3A_151 : memref<1x16x128xf32, #tpu.memory_space<hbm>> -> memref<16x128xf32, #tpu.memory_space<hbm>>
        %dma_wait3A_153 = arith.constant 9984 : i32
        %dma_wait3A_154 = arith.constant 0 : i32
        %dma_wait3A_155 = tpu.memref_slice %arg17[%dma_wait3A_153, %dma_wait3A_154] : memref<10000x128xf32, #tpu.memory_space<vmem_shared>> -> memref<16x128xf32, #tpu.memory_space<vmem_shared>>
        tpu.wait_dma2 semaphore(%run_scoped3A : memref<!tpu.dma_semaphore, #tpu.memory_space<semaphore_mem>>) src(%dma_wait3A_155 : memref<16x128xf32, #tpu.memory_space<vmem_shared>>) dst(%dma_wait3A_152 : memref<16x128xf32, #tpu.memory_space<hbm>>)
        tpu.yield
      }) : () -> ()
    } else {
    }
    return
  }
}

</mosaic_0001>

<sc_bundles>
// kernel: _segment_sum_sc.3.cloned.1.call-start
scs
__scs_entry_jumppad:
0x0: {  	(pc) =	sbr.rel $0x88, $3  }
0x1: {  	(tag) =	ssettag $0x0;
	lr =	simm.s32 $0x1  }
0x2: {  	[smem:$0x3F9F] =	sst lr;
	_ =	strace $0xD0000000  }
0x3: {  	_ = 	snop  }
0x4: {  	_ = 	snop  }
0x5: {  	_ = 	snop  }
0x6: {  	_ = 	snop  }
0x7: {  	_ = 	snop  }
__scs_overlays_trampoline_lowered:
0x8: {  	[smem:$0x3FAE] =	sst s0  }
0x9: {  	[smem:$0x3FAF] =	sst s1  }
0xa: {  	[smem:$0x3FB0] =	sst s2  }
0xb: {  	[smem:$0x3FB1] =	sst s3  }
0xc: {  	[smem:$0x3FB2] =	sst s4  }
0xd: {  	[smem:$0x3FB3] =	sst s5  }
0xe: {  	[smem:$0x3FB4] =	sst s6  }
0xf: {  	[smem:$0x3FB5] =	sst s7  }
0x10: {  	[smem:$0x3FB6] =	sst s8  }
0x11: {  	[smem:$0x3FB7] =	sst s9;
	s0 =	simm.s32 @!p0 $0x0  }
0x12: {  	s1 =	sld [smem:$0x3F9D];
	s0 =	simm.s32 @p0 $0x1  }
0x13: {  	[smem:$0x3FB8] =	sst s0;
	s0 =	simm.s32 @!p1 $0x0  }
0x14: {  	s2 =	sld [smem:$0x3F9C];
	s0 =	simm.s32 @p1 $0x1  }
0x15: {  	[smem:$0x3FB9] =	sst s0;
	s0 =	simm.s32 @!p2 $0x0  }
0x16: {  	s3 =	sld [smem:$0x3FDB];
	s0 =	simm.s32 @p2 $0x1  }
0x17: {  	s4 =	simm.s32 $0x1BF5;
	[smem:$0x3FBB] =	sst s0  }
0x18: {  	s0 =	sld [smem:$0x3F9E];
	_ =	swait.ge [sflag:s4], $0x0  }
0x19: {  	s7 =	sld [smem:$0x3F9F]  }
0x1a: {  	s8 =	sadd.s32 $0xFFFFE003, lr  }
0x1b: {  	s9 =	sadd.s32 $0xFFFFFEF7, lr;
	s5 =	simm.s32 $0xFFFFFFFF;
	p2 =	slt.u32 s8, $0xFFFFF086  }
0x1c: {  	p1 =	slt.u32 s9, $0xF7A;
	s5 =	simm.s32 @!p2 $0x0  }
0x1d: {  	s5 =	simm.s32 @p1 $0x1;
	p0 =	seq.s32 s7, s2  }
0x1e: {  	s7 =	smul.u32 @!p0 $0xF7A, s2;
	p2 =	seq.s32 @!p0 s5, $0x0  }
0x1f: {  	s9 =	smul.u32 $0xF7A, s1;
	s8 =	simm.s32 @!p0 $0x1BF5;
	p2 =	por !p2, p0  }
0x20: {  	[sflag:s8] =	ssyncset.s32 @!p0 $0xFFFFF086;
	s6 =	sadd.s32 @!p0 s3, s7;
	s7 =	simm.s32 @!p0 $0x108  }
0x21: {  	s3 =	sadd.s32 s3, s9;
	s6 =	sadd.s32 @!p0 $0x88, s6;
	s7 =	simm.s32 @p2 $0x1082  }
0x22: {  	[simem:s7], [sflag:s8] =	dma.local @!p0 [hbm:s6], $0xF7A  }
0x23: {  	s9 =	sor.u32 $0xD0000000, s2;
	s6 =	simm.s32 $0x108;
	_ =	swait.ge @!p0 [sflag:s8], $0x0  }
0x24: {  	s3 =	sadd.s32 $0x88, s3;
	s6 =	simm.s32 @!p1 $0x1082;
	[sflag:s4] =	ssyncset.s32 $0xFFFFF086  }
0x25: {  	[simem:s6], [sflag:s4] =	dma.local [hbm:s3], $0xF7A  }
0x26: {  	[smem:$0x3F9F] =	sst s1;
	(tag) =	ssettag s2;
	_ =	strace s9  }
0x27: {  	s1 =	sld [smem:$0x3FAF]  }
0x28: {  	s2 =	sld [smem:$0x3FB0]  }
0x29: {  	s4 =	sld [smem:$0x3FB2]  }
0x2a: {  	p0 =	seq.s32 s5, $0x0;
	s5 =	sld [smem:$0x3FB3]  }
0x2b: {  	s6 =	sld [smem:$0x3FB4]  }
0x2c: {  	s7 =	sld [smem:$0x3FB5]  }
0x2d: {  	s3 =	simm.s32 $0x108;
	s8 =	sld [smem:$0x3FB6]  }
0x2e: {  	s3 =	simm.s32 @!p0 $0x1082;
	s9 =	sld [smem:$0x3FB7]  }
0x2f: {  	lr =	sadd.s32 s0, s3;
	s0 =	sld [smem:$0x3FAE]  }
0x30: {  	s3 =	sld [smem:$0x3FB1]  }
0x31: {  	[smem:$0x3FBA] =	sst s10  }
0x32: {  	s10 =	sld [smem:$0x3FB8];
	_ =	sdelay $0x3  }
0x33: {  	p0 =	seq.s32 s10, $0x1;
	s10 =	sld [smem:$0x3FBA];
	_ =	sdelay $0x3  }
0x34: {  	[smem:$0x3FBA] =	sst s10  }
0x35: {  	s10 =	sld [smem:$0x3FB9];
	_ =	sdelay $0x3  }
0x36: {  	p1 =	seq.s32 s10, $0x1;
	s10 =	sld [smem:$0x3FBA];
	_ =	sdelay $0x3  }
0x37: {  	[smem:$0x3FBA] =	sst s10  }
0x38: {  	s10 =	sld [smem:$0x3FBB]  }
0x39: {  	_ = 	snop;
	(pc) =	sbr.ind lr, $3  }
0x3a: {  	_ = 	snop  }
0x3b: {  	_ = 	snop  }
0x3c: {  	p2 =	seq.s32 s10, $0x1;
	s10 =	sld [smem:$0x3FBA]  }
0x3d: {  	_ =	shalt  }
0x3e: {  	_ =	shalt  }
0x3f: {  	_ =	shalt  }
0x40: {  	_ =	shalt  }
0x41: {  	_ =	shalt  }
0x42: {  	_ =	shalt  }
0x43: {  	_ =	shalt  }
0x44: {  	_ =	shalt  }
0x45: {  	_ =	shalt  }
0x46: {  	_ =	shalt  }
0x47: {  	_ =	shalt  }
0x48: {  	_ =	shalt  }
0x49: {  	_ =	shalt  }
0x4a: {  	_ =	shalt  }
0x4b: {  	_ =	shalt  }
0x4c: {  	_ =	shalt  }
0x4d: {  	_ =	shalt  }
0x4e: {  	_ =	shalt  }
0x4f: {  	_ =	shalt  }
0x50: {  	_ =	shalt  }
0x51: {  	_ =	shalt  }
0x52: {  	_ =	shalt  }
0x53: {  	_ =	shalt  }
0x54: {  	_ =	shalt  }
0x55: {  	_ =	shalt  }
0x56: {  	_ =	shalt  }
0x57: {  	_ =	shalt  }
0x58: {  	_ =	shalt  }
0x59: {  	_ =	shalt  }
0x5a: {  	_ =	shalt  }
0x5b: {  	_ =	shalt  }
0x5c: {  	_ =	shalt  }
0x5d: {  	_ =	shalt  }
0x5e: {  	_ =	shalt  }
0x5f: {  	_ =	shalt  }
0x60: {  	_ =	shalt  }
0x61: {  	_ =	shalt  }
0x62: {  	_ =	shalt  }
0x63: {  	_ =	shalt  }
0x64: {  	_ =	shalt  }
0x65: {  	_ =	shalt  }
0x66: {  	_ =	shalt  }
0x67: {  	_ =	shalt  }
0x68: {  	_ =	shalt  }
0x69: {  	_ =	shalt  }
0x6a: {  	_ =	shalt  }
0x6b: {  	_ =	shalt  }
0x6c: {  	_ =	shalt  }
0x6d: {  	_ =	shalt  }
0x6e: {  	_ =	shalt  }
0x6f: {  	_ =	shalt  }
0x70: {  	_ =	shalt  }
0x71: {  	_ =	shalt  }
0x72: {  	_ =	shalt  }
0x73: {  	_ =	shalt  }
0x74: {  	_ =	shalt  }
0x75: {  	_ =	shalt  }
0x76: {  	_ =	shalt  }
0x77: {  	_ =	shalt  }
0x78: {  	_ =	shalt  }
0x79: {  	_ =	shalt  }
0x7a: {  	_ =	shalt  }
0x7b: {  	_ =	shalt  }
0x7c: {  	_ =	shalt  }
0x7d: {  	_ =	shalt  }
0x7e: {  	_ =	shalt  }
0x7f: {  	_ =	shalt  }
0x80: {  	_ =	shalt  }
0x81: {  	_ =	shalt  }
0x82: {  	_ =	shalt  }
0x83: {  	_ =	shalt  }
0x84: {  	_ =	shalt  }
0x85: {  	_ =	shalt  }
0x86: {  	_ =	shalt  }
0x87: {  	_ =	shalt  }
.Lfunc_end0:
.L_simem_size_0:
called_computation_lowered:
.L_overlay_start_0:
0x88: {  	s2 =	sld [smem:$0x3FD9]  }
0x89: {  	s3 =	sld [smem:$0x3FFE];
	_ =	sdelay $0x1  }
0x8a: {  	s1 =	srdreg.scid  }
0x8b: {  	s0 =	sand.u32 $0x1, s1  }
0x8c: {  	s18 =	sshll.u32 s0, $0xA;
	s2 =	sadd.s32 s3, s2  }
0x8d: {  	s2 =	sadd.s32 s2, s18  }
0x8e: {  	[smem:$0x3FC6] =	sst s2  }
0x8f: {  	_ = 	snop  }
0x90: {  	s2 =	sld [smem:$0x3FC9]  }
0x91: {  	s19 =	sld [smem:$0x3FC8]  }
0x92: {  	s4 =	sld [smem:$0x3FD0];
	(tm) =	ssettm $0x1  }
0x93: {  	s5 =	sld [smem:$0x3FFB];
	_ =	sdelay $0x3  }
0x94: {  	_ =	strace s5  }
0x95: {  	s5 =	sld [smem:$0x3FFC];
	_ =	sdelay $0x3  }
0x96: {  	_ =	strace s5  }
0x97: {  	s5 =	sld [smem:$0x3FFD];
	_ =	sdelay $0x3  }
0x98: {  	_ =	strace s5  }
0x99: {  	_ =	strace $0x8FFFFFFF  }
0x9a: {  	s20 =	sld [smem:$0x3FDB];
	_ =	sdelay $0x1  }
0x9b: {  	s6 =	simm.s32 $_scs_section_size  }
0x9c: {  	s7 =	simm.s32 $_size__tile_overlayer_lowered;
	s8 =	simm.s32 $_tile_overlayer_lowered  }
0x9d: {  	s23 =	simm.s32 $0x1BFF;
	s22 =	sshll.u32 s8, $0x1;
	s5 =	sadd.s32 s6, s20  }
0x9e: {  	s9 =	simm.s32 $0x0;
	s21 =	sshll.u32 s7, $0x1;
	s7 =	sadd.s32 s22, s5  }
0x9f: {  	[timem:s9], [sflag:s23] =	dma.local [hbm:s7], s21  }
0xa0: {  	_ =	swait.ge [sflag:s23], s21  }
0xa1: {  	s6 =	ssub.s32 $0x0, s21;
	[sflag:s23] =	ssyncset.done $0x0  }
0xa2: {  	[sflag:s23] =	ssyncadd.s32 s6;
	_ =	sdelay $0x1  }
0xa3: {  	s24 =	simm.s32 $0x1B8B  }
0xa4: {  	_ =	swait.ge [sflag:s24], $0x1  }
0xa5: {  	[sflag:s24] =	ssyncset.done $0x0  }
0xa6: {  	s25 =	simm.s32 $0x1B8E;
	[sflag:s24] =	ssyncadd.s32 $0xFFFFFFFF  }
0xa7: {  	s26 =	simm.s32 $execute0_lowered;
	[smem:$0x3FD2] =	sst s25  }
0xa8: {  	s6 =	sshll.u32 s26, $0x1;
	_ =	strace $0x80000046;
	[dreg:$0x1] =	wrdreg $0xFFFFFFFF  }
0xa9: {  	s28 =	simm.s32 $_size_execute0_lowered;
	s5 =	sadd.s32 s5, s6;
	[dreg:$0x0] =	wrdreg $0x0  }
0xaa: {  	s6 =	sshll.u32 s28, $0x1;
	[dreg:$0x2] =	wrdreg s5  }
0xab: {  	[dreg:$0x3] =	wrdreg s6  }
0xac: {  	[dreg:$0x4] =	wrdreg $0xC0  }
0xad: {  	_ =	task [dreg:s9], $0x5FFFF  }
0xae: {  	[dreg:$0x1] =	wrdreg $0xFFFFFFFF  }
0xaf: {  	[dreg:$0x0] =	wrdreg $0x60  }
0xb0: {  	[dreg:$0x2] =	wrdreg s2  }
0xb1: {  	[dreg:$0x3] =	wrdreg s19  }
0xb2: {  	[dreg:$0x4] =	wrdreg s4  }
0xb3: {  	[dreg:$0x5] =	wrdreg $0xC1800  }
0xb4: {  	[dreg:$0x6] =	wrdreg $0x9  }
0xb5: {  	_ =	task.clear_ibuf [dreg:s9], $0x7FFFF;
	_ =	strace $0x90000046  }
0xb6: {  	s29 =	simm.s32 $0x9;
	_ =	strace $0x80000048  }
0xb7: {  	_ =	swait.ge [sflag:s29], $0x1  }
0xb8: {  	[sflag:s29] =	ssyncadd.s32 $0xFFFFFFFF  }
0xb9: {  	_ =	strace $0x90000048  }
0xba: {  	_ =	sfence  }
0xbb: {  	s30 =	sld [smem:$0x0];
	_ =	sdelay $0x2  }
0xbc: {  	s31 =	sshll.u32 s1, $0xD;
	s1 =	sshrl.u32 s1, $0x2  }
0xbd: {  	s3 =	sand.u32 $0x4000, s31;
	s1 =	sadd.s32 s1, s30  }
0xbe: {  	s0 =	sor.u32 s3, s0;
	s1 =	sshll.u32 s1, $0x11  }
0xbf: {  	s0 =	sor.u32 s1, s0  }
0xc0: {  	s0 =	sadd.s32 $0x8F2B, s0  }
0xc1: {  	[sflag:s0] =	ssyncadd.remote.s32 $0x1  }
0xc2: {  	_ =	sfence.sel $0xFFFF  }
0xc3: {  	[dreg:$0x0] =	wrdreg $0xFFFFFFFF;
	(pc) =	sbr.abs _section_cstart, $3  }
0xc4: {  	[dreg:$0x1] =	wrdreg $0xFFFFFFFF  }
0xc5: {  	_ =	task.clear_ibuf [dreg:s9], $0x2FFFF;
	_ =	strace $0x9FFFFFFF  }
0xc6: {  	(tm) =	ssettm $0x7FFFFFFF  }
0xc7: {  	_ =	shalt  }
tec
execute0_lowered:
.L_overlay_start_1:
0x0: {  	(tag) =	ssettag $0x1  }
0x1: {  	s0 =	rddreg [dreg:$0x0]  }
0x2: {  	s1 =	rddreg [dreg:$0x1]  }
0x3: {  	s5 =	rddreg [dreg:$0x2]  }
0x4: {  	s2 =	rddreg [dreg:$0x3];
	s3 =	simm.s32 $0x0  }
0x5: {  	s4 =	srdreg.scid;
	s18 =	stileid.u32;
	s29 =	simm.s32 $0x7  }
0x6: {  	s31 =	simm.s32 $0xC000;
	s30 =	simm.s32 $0xC100;
	s19 =	smul.u32 $0x4E000, s18  }
0x7: {  	[smem:$0x7FF] =	sst s3;
	s6 =	sand.u32 $0x1, s4;
	s14 =	smul.u32 $0x13800, s18  }
0x8: {  	s15 =	smul.u32 $0x4E, s18;
	s26 =	sshll.u32 s18, $0x7;
	p1 =	sne.s32 s18, $0xF  }
0x9: {  	_ =	strace $0x80000047;
	s7 =	sshll.u32 s6, $0x4;
	s13 =	smul.u32 $0x138800, s6  }
0xa: {  	s8 =	ssub.s32 $0x2, s6;
	s6 =	smul.u32 $0x4E0, s6;
	s7 =	sor.u32 s18, s7  }
0xb: {  	s4 =	sshrl.u32 s19, $0x2;
	s9 =	sshrl.u32 s8, $0x1;
	s10 =	smul.u32 $0x27000, s7  }
0xc: {  	s4 =	sadd.s32 s4, s2;
	s8 =	ssub.s32 s8, s9;
	s11 =	smul.u32 $0x4E0, s7  }
0xd: {  	s12 =	smul.u32 $0x2700, s7;
	s9 =	sadd.s32 $0x138000, s2;
	s14 =	sadd.s32 s14, s13  }
0xe: {  	s6 =	sadd.s32 s15, s6;
	s13 =	sshrl.u32 s13, $0x3;
	s20 =	sadd.s32 $0x4000, s4  }
0xf: {  	p0 =	sgt.u32 s7, $0x3;
	s21 =	sadd.s32 $0x8000, s4;
	[dreg:$0x5] =	wrdreg s20  }
0x10: {  	s22 =	sadd.s32 $0xC000, s4;
	s23 =	sadd.s32 $0x10000, s4;
	[dreg:$0x6] =	wrdreg s21  }
0x11: {  	s14 =	sshrl.u32 s14, $0x3;
	s19 =	sshll.u32 s6, $0x4;
	[dreg:$0x7] =	wrdreg s22  }
0x12: {  	s6 =	sshll.u32 s6, $0xB;
	[dreg:$0x8] =	wrdreg s23;
	s11 =	sadd.s32 s1, s11  }
0x13: {  	s24 =	sor.u32 $0x80, s12;
	s12 =	sadd.s32 $0x100, s12;
	s14 =	sadd.s32 s5, s14  }
0x14: {  	s5 =	sadd.s32 s5, s13;
	s21 =	smul.u32 $0x138000, s7;
	s15 =	sadd.s32 s0, s10  }
0x15: {  	s7 =	simm.s32 $0x3;
	[dreg:$0x9] =	wrdreg s11;
	s16 =	sshll.u32 s24, $0x4  }
0x16: {  	s11 =	sshrl.u32 s24, $0x3;
	s17 =	sshrl.u32 s12, $0x3;
	[dreg:$0xc] =	wrdreg s14  }
0x17: {  	s23 =	sshll.u32 s12, $0x4;
	s12 =	simm.s32 $0x0;
	s11 =	sadd.s32 s1, s11  }
0x18: {  	s25 =	sadd.s32 s1, s17;
	s22 =	sadd.s32 s0, s16;
	[dreg:$0xa] =	wrdreg s11  }
0x19: {  	s10 =	sadd.s32 s0, s23;
	s24 =	sshrl.u32 s21, $0x3;
	[dreg:$0xb] =	wrdreg s25  }
0x1a: {  	s23 =	smax.u32 s8, $0x1;
	s8 =	simm.s32 $0x4;
	[dreg:$0xe] =	wrdreg s22  }
0x1b: {  	s11 =	sor.u32 $0x4E000, s26;
	[dreg:$0xf] =	wrdreg s10;
	s10 =	sadd.s32 s0, s24  }
0x1c: {  	s25 =	sadd.s32 $0x400, s15;
	s22 =	sadd.s32 $0x27000, s5;
	s5 =	simm.s32 $0x1  }
0x1d: {  	s17 =	sshrl.u32 s11, $0x3;
	s11 =	sshll.u32 s11, $0x4;
	[dreg:$0x11] =	wrdreg s25  }
0x1e: {  	s26 =	sadd.s32 $0x1400, s10;
	s10 =	simm.s32 $0x5;
	s20 =	sadd.s32 s1, s17  }
.Ltmp0:
0x1f: {  	s1 =	sadd.s32 s19, s1;
	s11 =	sadd.s32 s0, s11;
	(pc) =	sbr.rel .LBB2_1-.Ltmp0, $4  }
0x20: {  	s19 =	sadd.s32 s6, s0;
	[dreg:$0x12] =	wrdreg s26;
	s26 =	sadd.s32 $0xC00, s15  }
0x21: {  	s0 =	simm.s32 $0x8000;
	s6 =	simm.s32 $0x80;
	[dreg:$0xd] =	wrdreg s20  }
0x22: {  	[dreg:$0x10] =	wrdreg s11;
	s16 =	sadd.s32 $0x50, s1;
	s14 =	sadd.s32 $0x30, s1  }
0x23: {  	v0 =	vimm.f32 $0.0e+00;
	s28 =	sadd.s32 $0x2000, s19;
	s1 =	simm.s32 $0xA000;
	s11 =	simm.s32 $0x6  }
.LBB2_6:
0x24: {  	_ =	swait.ge [sflag:s8], $0x4000  }
0x25: {  	[sflag:s8] =	ssyncset.done $0x0  }
0x26: {  	[sflag:s8] =	ssyncadd.s32 $0xFFFFC000  }
0x27: {  	_ =	swait.ge [sflag:s10], $0x4000  }
0x28: {  	[sflag:s10] =	ssyncset.done $0x0  }
0x29: {  	[sflag:s10] =	ssyncadd.s32 $0xFFFFC000  }
0x2a: {  	_ =	swait.ge [sflag:s11], $0x4000  }
0x2b: {  	[sflag:s11] =	ssyncset.done $0x0  }
0x2c: {  	s13 =	simm.s32 @!p0 $0x0;
	s17 =	rddreg [dreg:$0x10];
	[sflag:s11] =	ssyncadd.s32 $0xFFFFC000  }
0x2d: {  	[tilespmem:s13], [sflag:$0x7] =	stream.linear.gather @!p0 [hbm4b:s17+s13], $0x4000, $0x38;
	[tilespmem:$0x1FA00] =	vst v63  }
0x2e: {  	s17 =	simm.s32 @!p0 $0x7  }
0x2f: {  	_ =	swait.ge @!p0 [sflag:s17], $0x4000  }
0x30: {  	[sflag:s17] =	ssyncset.done @!p0 $0x0  }
0x31: {  	s18 =	simm.s32 @!p0 $0xC000;
	s20 =	rddreg [dreg:$0xd];
	[sflag:s17] =	ssyncadd.s32 @!p0 $0xFFFFC000  }
0x32: {  	[tilespmem:s18], [sflag:$0x7] =	stream.linear.gather @!p0 [hbm4b:s20+s13], $0x80, $0x38;
	[tilespmem:$0x1FA00] =	vst v63  }
0x33: {  	_ =	swait.ge @!p0 [sflag:s17], $0x80  }
0x34: {  	[sflag:s17] =	ssyncset.done @!p0 $0x0  }
0x35: {  	s20 =	simm.s32 @!p0 $0x80;
	[sflag:s17] =	ssyncadd.s32 @!p0 $0xFFFFFF80  }
0x36: {  	[spmem:s2] =	stream.indirect.scatter.add.f32 @!p0 [tilespmem:s13], [sflag:$0x7], $0x80, s18, s20, $0xb8;
	[tilespmem:$0x1FA00] =	vst v63  }
0x37: {  	_ =	swait.ge @!p0 [sflag:s17], $0x4000  }
0x38: {  	[sflag:s17] =	ssyncset.done @!p0 $0x0  }
0x39: {  	s21 =	stileid.u32;
	[sflag:s17] =	ssyncadd.s32 @!p0 $0xFFFFC000  }
0x3a: {  	s13 =	sshll.u32 s21, $0x6;
	[bflag:$0x0] =	sbarrier.arrive $0xFFFF  }
0x3b: {  	s24 =	sshrl.u32 s4, $0x3;
	s13 =	sor.u32 $0x1C07, s13;
	s25 =	rddreg [dreg:$0xc]  }
0x3c: {  	[hbm:s25], [sflag:s13] =	dma.local [spmem:s24], $0x2700  }
0x3d: {  	_ =	swait.ge [sflag:s29], $0x2700  }
0x3e: {  	s12 =	sadd.s32 $0x1, s12;
	[sflag:s29] =	ssyncset.done $0x0  }
0x3f: {  	p2 =	sne.s32 s12, s23;
	s17 =	sshrl.u32 @!p1 s9, $0x3;
	[sflag:s29] =	ssyncadd.s32 $0xFFFFD900  }
0x40: {  	[hbm:s22], [sflag:s13] =	dma.local @!p1 [spmem:s17], $0x100  }
.Ltmp1:
0x41: {  	_ = 	snop;
	(pc) =	sbr.rel @!p2 .LBB2_7-.Ltmp1, $4  }
0x42: {  	s13 =	simm.s32 @!p1 $0x7  }
0x43: {  	_ =	swait.ge @!p1 [sflag:s13], $0x100  }
0x44: {  	[sflag:s13] =	ssyncset.done @!p1 $0x0  }
0x45: {  	[sflag:s13] =	ssyncadd.s32 @!p1 $0xFFFFFF00  }
.LBB2_1:
0x46: {  	s13 =	simm.s32 $0x0;
	s24 =	simm.s32 $0x200  }
.LBB2_2:
0x47: {  	p2 =	sne.s32 s24, $0xFE00;
	[tilespmem:s13+$0x70] =	vst v0  }
0x48: {  	[tilespmem:s13+$0x0] =	vst v0  }
0x49: {  	[tilespmem:s13+$0x10] =	vst v0  }
.Ltmp2:
0x4a: {  	[tilespmem:s13+$0x20] =	vst v0;
	(pc) =	sbr.rel @p2 .LBB2_2-.Ltmp2, $4  }
0x4b: {  	[tilespmem:s13+$0x30] =	vst v0  }
0x4c: {  	[tilespmem:s13+$0x40] =	vst v0  }
0x4d: {  	[tilespmem:s13+$0x50] =	vst v0  }
0x4e: {  	[tilespmem:s13+$0x60] =	vst v0;
	s13 =	sshra.s32 s24, $0x2;
	s24 =	sadd.s32 $0x200, s24  }
0x4f: {  	[tilespmem:s13+$0x70] =	vst v0  }
0x50: {  	[tilespmem:s13+$0x0] =	vst v0  }
0x51: {  	[tilespmem:s13+$0x10] =	vst v0  }
0x52: {  	[tilespmem:s13+$0x20] =	vst v0  }
0x53: {  	[tilespmem:s13+$0x30] =	vst v0  }
0x54: {  	[tilespmem:s13+$0x40] =	vst v0  }
0x55: {  	[tilespmem:s13+$0x50] =	vst v0  }
0x56: {  	[tilespmem:s13+$0x60] =	vst v0  }
0x57: {  	[spmem:s4] =	stream.linear.scatter [tilespmem:s3], [sflag:$0x7], $0x4000, $0x38;
	[tilespmem:$0x1FA00] =	vst v63  }
0x58: {  	_ =	swait.ge [sflag:s29], $0x4000  }
0x59: {  	[sflag:s29] =	ssyncset.done $0x0  }
0x5a: {  	s24 =	rddreg [dreg:$0x5];
	[sflag:s29] =	ssyncadd.s32 $0xFFFFC000  }
0x5b: {  	[spmem:s24] =	stream.linear.scatter [tilespmem:s3], [sflag:$0x7], $0x4000, $0x38;
	[tilespmem:$0x1FA00] =	vst v63  }
0x5c: {  	_ =	swait.ge [sflag:s29], $0x4000  }
0x5d: {  	[sflag:s29] =	ssyncset.done $0x0  }
0x5e: {  	s25 =	rddreg [dreg:$0x6];
	[sflag:s29] =	ssyncadd.s32 $0xFFFFC000  }
0x5f: {  	[spmem:s25] =	stream.linear.scatter [tilespmem:s3], [sflag:$0x7], $0x4000, $0x38;
	[tilespmem:$0x1FA00] =	vst v63  }
0x60: {  	_ =	swait.ge [sflag:s29], $0x4000  }
0x61: {  	[sflag:s29] =	ssyncset.done $0x0  }
0x62: {  	s17 =	rddreg [dreg:$0x7];
	[sflag:s29] =	ssyncadd.s32 $0xFFFFC000  }
0x63: {  	[spmem:s17] =	stream.linear.scatter [tilespmem:s3], [sflag:$0x7], $0x4000, $0x38;
	[tilespmem:$0x1FA00] =	vst v63  }
0x64: {  	_ =	swait.ge [sflag:s29], $0x4000  }
0x65: {  	[sflag:s29] =	ssyncset.done $0x0  }
0x66: {  	s18 =	rddreg [dreg:$0x8];
	[sflag:s29] =	ssyncadd.s32 $0xFFFFC000  }
0x67: {  	[spmem:s18] =	stream.linear.scatter [tilespmem:s3], [sflag:$0x7], $0x3800, $0x38;
	[tilespmem:$0x1FA00] =	vst v63  }
0x68: {  	_ =	swait.ge [sflag:s29], $0x3800  }
0x69: {  	[sflag:s29] =	ssyncset.done $0x0  }
0x6a: {  	s13 =	simm.s32 @!p1 $0x0;
	[sflag:s29] =	ssyncadd.s32 $0xFFFFC800  }
0x6b: {  	[spmem:s9] =	stream.linear.scatter @!p1 [tilespmem:s13], [sflag:$0x7], $0x800, $0x38;
	[tilespmem:$0x1FA00] =	vst v63  }
0x6c: {  	s13 =	simm.s32 @!p1 $0x7  }
0x6d: {  	_ =	swait.ge @!p1 [sflag:s13], $0x800  }
0x6e: {  	[sflag:s13] =	ssyncset.done @!p1 $0x0  }
0x6f: {  	[sflag:s13] =	ssyncadd.s32 @!p1 $0xFFFFF800  }
0x70: {  	s13 =	simm.s32 $0x0;
	[bflag:$0x0] =	sbarrier.arrive $0xFFFF  }
0x71: {  	[tilespmem:s13], [sflag:$0x1] =	stream.linear.gather [hbm4b:s15+s13], $0x2000, $0x38;
	[tilespmem:$0x1FA00] =	vst v63  }
0x72: {  	s18 =	simm.s32 $0x2000;
	s17 =	rddreg [dreg:$0x11]  }
0x73: {  	[tilespmem:s18], [sflag:$0x1] =	stream.linear.gather [hbm4b:s17+s13], $0x2000, $0x38;
	[tilespmem:$0x1FA00] =	vst v63  }
0x74: {  	s20 =	rddreg [dreg:$0x9]  }
0x75: {  	[tilespmem:s31], [sflag:$0x1] =	stream.linear.gather [hbm4b:s20+s13], $0x80, $0x38;
	[tilespmem:$0x1FA00] =	vst v63  }
0x76: {  	s24 =	simm.s32 $0x4000;
	s21 =	rddreg [dreg:$0xe]  }
0x77: {  	[tilespmem:s24], [sflag:$0x2] =	stream.linear.gather [hbm4b:s21+s13], $0x2000, $0x38;
	[tilespmem:$0x1FA00] =	vst v63  }
0x78: {  	s25 =	simm.s32 $0x6000  }
0x79: {  	[tilespmem:s25], [sflag:$0x2] =	stream.linear.gather [hbm4b:s26+s13], $0x2000, $0x38;
	[tilespmem:$0x1FA00] =	vst v63  }
0x7a: {  	s18 =	rddreg [dreg:$0xa];
	s20 =	simm.s32 $0xC080  }
0x7b: {  	[tilespmem:s20], [sflag:$0x2] =	stream.linear.gather [hbm4b:s18+s13], $0x80, $0x38;
	[tilespmem:$0x1FA00] =	vst v63  }
0x7c: {  	s21 =	rddreg [dreg:$0xf]  }
0x7d: {  	[tilespmem:s0], [sflag:$0x3] =	stream.linear.gather [hbm4b:s21+s13], $0x2000, $0x38;
	[tilespmem:$0x1FA00] =	vst v63  }
0x7e: {  	s24 =	rddreg [dreg:$0x12]  }
0x7f: {  	[tilespmem:s1], [sflag:$0x3] =	stream.linear.gather [hbm4b:s24+s13], $0x2000, $0x38;
	[tilespmem:$0x1FA00] =	vst v63  }
0x80: {  	s25 =	rddreg [dreg:$0xb]  }
0x81: {  	[tilespmem:s30], [sflag:$0x3] =	stream.linear.gather [hbm4b:s25+s13], $0x80, $0x38;
	[tilespmem:$0x1FA00] =	vst v63  }
0x82: {  	s24 =	smov.u32 s16;
	s25 =	smov.u32 s14  }
.LBB2_4:
0x83: {  	_ =	swait.ge [sflag:s5], $0x4000  }
0x84: {  	[sflag:s5] =	ssyncset.done $0x0  }
0x85: {  	[sflag:s5] =	ssyncadd.s32 $0xFFFFC000  }
0x86: {  	_ =	swait.ge [sflag:s5], $0x80  }
0x87: {  	p2 =	seq.s32 s13, $0x25800;
	[sflag:s5] =	ssyncset.done $0x0  }
0x88: {  	s17 =	simm.s32 @p2 $0x2;
	[sflag:s5] =	ssyncadd.s32 $0xFFFFFF80  }
0x89: {  	[spmem:s2] =	stream.indirect.scatter.add.f32 [tilespmem:s3], [sflag:$0x4], $0x80, s31, s6, $0xb8;
	[tilespmem:$0x1FA00] =	vst v63  }
0x8a: {  	_ =	swait.ge @p2 [sflag:s17], $0x4000  }
0x8b: {  	[sflag:s17] =	ssyncset.done @p2 $0x0  }
0x8c: {  	[sflag:s17] =	ssyncadd.s32 @p2 $0xFFFFC000  }
0x8d: {  	_ =	swait.ge @p2 [sflag:s17], $0x80  }
0x8e: {  	s18 =	simm.s32 @p2 $0xC080;
	[sflag:s17] =	ssyncset.done @p2 $0x0  }
0x8f: {  	s20 =	simm.s32 @p2 $0x4000;
	[sflag:s17] =	ssyncadd.s32 @p2 $0xFFFFFF80;
	s17 =	simm.s32 @p2 $0x80  }
0x90: {  	[spmem:s2] =	stream.indirect.scatter.add.f32 @p2 [tilespmem:s20], [sflag:$0x5], $0x80, s18, s17, $0xb8;
	[tilespmem:$0x1FA00] =	vst v63  }
0x91: {  	s17 =	simm.s32 @!p2 $0x4  }
0x92: {  	_ =	swait.ge @!p2 [sflag:s17], $0x4000  }
0x93: {  	s18 =	sadd.s32 @!p2 s13, s19;
	[sflag:s17] =	ssyncset.done @!p2 $0x0  }
0x94: {  	s20 =	simm.s32 @!p2 $0x0;
	[sflag:s17] =	ssyncadd.s32 @!p2 $0xFFFFC000;
	s17 =	sadd.s32 @!p2 $0x1800, s18  }
0x95: {  	[tilespmem:s20], [sflag:$0x1] =	stream.linear.gather @!p2 [hbm4b:s17+s20], $0x2000, $0x38;
	[tilespmem:$0x1FA00] =	vst v63  }
0x96: {  	s17 =	sadd.s32 @!p2 $0x1C00, s18;
	s18 =	simm.s32 @!p2 $0x2000  }
0x97: {  	[tilespmem:s18], [sflag:$0x1] =	stream.linear.gather @!p2 [hbm4b:s17+s20], $0x2000, $0x38;
	[tilespmem:$0x1FA00] =	vst v63  }
0x98: {  	s17 =	simm.s32 @!p2 $0xC000  }
0x99: {  	[tilespmem:s17], [sflag:$0x1] =	stream.linear.gather @!p2 [hbm4b:s25+s20], $0x80, $0x38;
	[tilespmem:$0x1FA00] =	vst v63  }
0x9a: {  	s17 =	simm.s32 @!p2 $0x2  }
0x9b: {  	_ =	swait.ge @!p2 [sflag:s17], $0x4000  }
0x9c: {  	[sflag:s17] =	ssyncset.done @!p2 $0x0  }
0x9d: {  	[sflag:s17] =	ssyncadd.s32 @!p2 $0xFFFFC000  }
0x9e: {  	_ =	swait.ge @!p2 [sflag:s17], $0x80  }
0x9f: {  	s21 =	simm.s32 @!p2 $0x4000;
	[sflag:s17] =	ssyncset.done @!p2 $0x0  }
0xa0: {  	s18 =	simm.s32 @!p2 $0xC080;
	[sflag:s17] =	ssyncadd.s32 @!p2 $0xFFFFFF80;
	s17 =	simm.s32 @!p2 $0x80  }
0xa1: {  	[spmem:s2] =	stream.indirect.scatter.add.f32 @!p2 [tilespmem:s21], [sflag:$0x5], $0x80, s18, s17, $0xb8;
	[tilespmem:$0x1FA00] =	vst v63  }
0xa2: {  	s17 =	simm.s32 @!p2 $0x5  }
0xa3: {  	_ =	swait.ge @!p2 [sflag:s17], $0x4000  }
0xa4: {  	[sflag:s17] =	ssyncset.done @!p2 $0x0  }
0xa5: {  	[sflag:s17] =	ssyncadd.s32 @!p2 $0xFFFFC000;
	s17 =	sadd.s32 @!p2 s13, s28  }
0xa6: {  	[tilespmem:s21], [sflag:$0x2] =	stream.linear.gather @!p2 [hbm4b:s17+s20], $0x2000, $0x38;
	[tilespmem:$0x1FA00] =	vst v63  }
0xa7: {  	s17 =	sadd.s32 @!p2 $0x400, s17;
	s21 =	simm.s32 @!p2 $0x6000  }
0xa8: {  	[tilespmem:s21], [sflag:$0x2] =	stream.linear.gather @!p2 [hbm4b:s17+s20], $0x2000, $0x38;
	[tilespmem:$0x1FA00] =	vst v63  }
0xa9: {  	s17 =	sadd.s32 @!p2 $0xFFFFFFF0, s24  }
0xaa: {  	[tilespmem:s18], [sflag:$0x2] =	stream.linear.gather @!p2 [hbm4b:s17+s20], $0x80, $0x38;
	[tilespmem:$0x1FA00] =	vst v63  }
0xab: {  	_ =	swait.ge [sflag:s7], $0x4000  }
0xac: {  	[sflag:s7] =	ssyncset.done $0x0  }
.Ltmp3:
0xad: {  	[sflag:s7] =	ssyncadd.s32 $0xFFFFC000;
	(pc) =	sbr.rel @p2 .LBB2_6-.Ltmp3, $4  }
0xae: {  	_ =	swait.ge [sflag:s7], $0x80  }
0xaf: {  	[sflag:s7] =	ssyncset.done $0x0  }
0xb0: {  	[sflag:s7] =	ssyncadd.s32 $0xFFFFFF80  }
0xb1: {  	[spmem:s2] =	stream.indirect.scatter.add.f32 [tilespmem:s0], [sflag:$0x6], $0x80, s30, s6, $0xb8;
	[tilespmem:$0x1FA00] =	vst v63  }
0xb2: {  	_ =	swait.ge [sflag:s11], $0x4000  }
0xb3: {  	s17 =	sadd.s32 s13, s28;
	[sflag:s11] =	ssyncset.done $0x0  }
0xb4: {  	s18 =	sadd.s32 $0x800, s17;
	[sflag:s11] =	ssyncadd.s32 $0xFFFFC000  }
0xb5: {  	[tilespmem:s0], [sflag:$0x3] =	stream.linear.gather [hbm4b:s18+s3], $0x2000, $0x38;
	[tilespmem:$0x1FA00] =	vst v63  }
.Ltmp4:
0xb6: {  	s17 =	sadd.s32 $0xC00, s17;
	(pc) =	sbr.rel .LBB2_4-.Ltmp4, $4  }
0xb7: {  	[tilespmem:s1], [sflag:$0x3] =	stream.linear.gather [hbm4b:s17+s3], $0x2000, $0x38;
	[tilespmem:$0x1FA00] =	vst v63  }
0xb8: {  	_ = 	snop  }
0xb9: {  	[tilespmem:s30], [sflag:$0x3] =	stream.linear.gather [hbm4b:s24+s3], $0x80, $0x38;
	[tilespmem:$0x1FA00] =	vst v63  }
0xba: {  	s13 =	sadd.s32 $0x1800, s13;
	s25 =	sadd.s32 $0x30, s25;
	s24 =	sadd.s32 $0x30, s24  }
.LBB2_7:
0xbb: {  	_ =	sfence.sel $0x180000  }
0xbc: {  	[bflag:$0x0] =	sbarrier.arrive $0xFFFF  }
0xbd: {  	_ =	strace $0x90000047  }
0xbe: {  	s0 =	stileid.u32;
	[bflag:$0x2] =	sbarrier.arrive $0xFFFF  }
0xbf: {  	p0 =	sne.s32 s0, $0x0;
	s0 =	rddreg [dreg:$0x4]  }
0xc0: {  	s0 =	sadd.s32 @!p0 $0x100000, s0  }
0xc1: {  	[sflag:s0] =	ssyncadd.tile.s32 @!p0 $0x1;
	_ =	shalt  }
.Lfunc_end2:
_tile_overlayer_lowered:
.L_overlay_start_2:
0xc2: {  	(tag) =	ssettag $0x2  }
0xc3: {  	s0 =	rddreg [dreg:$0x0];
	s2 =	stileid.u32  }
0xc4: {  	s1 =	rddreg [dreg:$0x1];
	p0 =	sne.s32 s2, $0x0  }
0xc5: {  	s3 =	rddreg [dreg:$0x2];
	[bflag:$0x3] =	sbarrier.arrive $0xFFFF;
	s2 =	simm.s32 @!p0 $0x1C07  }
0xc6: {  	[timem:s3], [sflag:s2] =	dma.local @!p0 [hbm:s0], s1  }
0xc7: {  	s0 =	simm.s32 @!p0 $0x7  }
0xc8: {  	_ =	swait.ge @!p0 [sflag:s0], s1  }
0xc9: {  	s1 =	ssub.s32 @!p0 $0x0, s1;
	[sflag:s0] =	ssyncset.done @!p0 $0x0  }
0xca: {  	[sflag:s0] =	ssyncadd.s32 @!p0 s1  }
0xcb: {  	[bflag:$0x3] =	sbarrier.arrive $0xFFFF  }
0xcc: {  	_ =	shalt  }

</sc_bundles>
